<compile_context>
chip_gen: v7x
topology: tpu7x:2x2x1
jax: 0.10.2.dev20260603
libtpu: 0.0.44.dev20260713+nightly
codegen_flags: <defaults>
</compile_context>

<pallas_src>
import functools

import jax
import jax.numpy as jnp
import numpy as np
from jax import lax
from jax.experimental import pallas as pl
from jax.experimental.pallas import tpu as pltpu
from jax.experimental.pallas import tpu_sc as plsc

_NBINS = 256
_D = 512
_B = 16 * 4096
_NW = 32
_BPW = _B // _NW
_CHUNK = 128
_NCHUNK = _BPW // _CHUNK
_TABW = (_NBINS - 1) * _D

_F0_MIN = 50.0
_F0_MAX = 1100.0


def _prep_body(f0_ref, emb_ref, w1_ref, b1_ref, w2_ref, b2_ref, idx_ref, tab_ref):
    mel_min = 1127.0 * float(np.log(1.0 + _F0_MIN / 700.0))
    mel_max = 1127.0 * float(np.log(1.0 + _F0_MAX / 700.0))
    f0 = f0_ref[...]
    mel = 1127.0 * jnp.log(1.0 + f0 / 700.0)
    scale = np.float32(_NBINS - 2) / np.float32(mel_max - mel_min)
    mel = jnp.where(
        mel > 0.0,
        (mel - mel_min) * scale + 1.0,
        mel,
    )
    mel = jnp.where(mel <= 1.0, 1.0, mel)
    mel = jnp.where(mel > _NBINS - 1, float(_NBINS - 1), mel)
    idx_ref[...] = ((mel + 0.5).astype(jnp.int32) - 1) * _D

    h = jnp.dot(emb_ref[...], w1_ref[...], preferred_element_type=jnp.float32)
    h = h + b1_ref[...]
    h = h * 0.5 * (1.0 + lax.erf(h * np.float32(1.0 / np.sqrt(2.0))))
    tab_ref[...] = (
        jnp.dot(h, w2_ref[...], preferred_element_type=jnp.float32) + b2_ref[...]
    )


def _prep(f0v, emb, w1, b1, w2, b2):
    return pl.pallas_call(
        _prep_body,
        out_shape=(
            jax.ShapeDtypeStruct((_B // _CHUNK, _CHUNK), jnp.int32),
            jax.ShapeDtypeStruct((_NBINS, _D), jnp.float32),
        ),
    )(f0v, emb, w1, b1, w2, b2)


def _sc_emit(tab, idx2d):
    tab1d = tab.reshape(_NBINS * _D)
    mesh = plsc.VectorSubcoreMesh(core_axis_name="c", subcore_axis_name="s")

    @functools.partial(
        pl.kernel,
        mesh=mesh,
        out_type=jax.ShapeDtypeStruct((_B, _D), jnp.float32),
        scratch_types=[
            pltpu.VMEM((_TABW,), jnp.float32),
            pltpu.VMEM((_CHUNK,), jnp.int32),
            pltpu.SemaphoreType.DMA,
            pltpu.SemaphoreType.DMA,
        ],
    )
    def k(tab_hbm, idx_hbm, out_hbm, tab_v, idx_v, sem, drain_sem):
        cid = lax.axis_index("c")
        sid = lax.axis_index("s")
        wid = sid * 2 + cid
        base = wid * _BPW

        pltpu.sync_copy(tab_hbm.at[pl.ds(_D, _TABW)], tab_v)

        def fire_chunk(c):
            pltpu.sync_copy(idx_hbm.at[wid * _NCHUNK + c], idx_v)

            def fire(g, carry):
                offs = idx_v[pl.ds(g * 16, 16)]
                for i in range(16):
                    pltpu.async_copy(
                        tab_v.at[pl.ds(pl.multiple_of(offs[i], _D), _D)],
                        out_hbm.at[base + c * _CHUNK + g * 16 + i],
                        sem,
                    )
                return carry

            lax.fori_loop(0, _CHUNK // 16, fire, 0)

        def drain_chunk():
            pltpu.make_async_copy(
                out_hbm.at[pl.ds(0, _CHUNK)],
                out_hbm.at[pl.ds(0, _CHUNK)],
                sem,
            ).wait()

        fire_chunk(0)

        def body(c, carry):
            fire_chunk(c)
            drain_chunk()
            return carry

        lax.fori_loop(1, _NCHUNK, body, 0)
        drain_chunk()

    return k(tab1d, idx2d)


def kernel(f0, emb, W1, b1, W2, b2):
    f0v = f0.reshape(_B // _CHUNK, _CHUNK)
    idx2d, tab = _prep(f0v, emb, W1, b1.reshape(1, _D), W2, b2.reshape(1, _D))
    out = _sc_emit(tab, idx2d)
    return out.reshape(f0.shape[0], f0.shape[1], _D)

# --- scband reference (transcript-rebuilt; emitter-appended) ---
"""Pipeline reference for scband-pretrained-f0-encoder-16518444220971 (READ-ONLY COPY).

The authoritative reference and input builder live on the scoring server;
editing this copy changes nothing except your own understanding.
"""

import jax, jax.numpy as jnp
import numpy as np

N_F0_BINS = 256
V1_DIM = 768
HIDDEN_DIM = 512
F0_MIN = 50.0
F0_MAX = 1100.0


def f0_to_coarse(f0, f0_bin=N_F0_BINS):
    # standard mel-scale F0 quantization (DiffSinger/FastSpeech-style)
    f0_mel_min = 1127.0 * np.log(1.0 + F0_MIN / 700.0)
    f0_mel_max = 1127.0 * np.log(1.0 + F0_MAX / 700.0)
    f0_mel = 1127.0 * jnp.log(1.0 + f0 / 700.0)
    f0_mel = jnp.where(
        f0_mel > 0.0,
        (f0_mel - f0_mel_min) * (f0_bin - 2) / (f0_mel_max - f0_mel_min) + 1.0,
        f0_mel,
    )
    f0_mel = jnp.where(f0_mel <= 1.0, 1.0, f0_mel)
    f0_mel = jnp.where(f0_mel > f0_bin - 1, float(f0_bin - 1), f0_mel)
    f0_coarse = (f0_mel + 0.5).astype(jnp.int32)
    return f0_coarse


def setup_inputs(seed: int = 0):
    key = jax.random.key(seed)
    k1, k2, k3, k4 = jax.random.split(key, 4)
    # f0 in Hz, realistic voiced range [50, 1100)
    f0 = jax.random.uniform(k1, (16, 4096), dtype=jnp.float32, minval=F0_MIN, maxval=F0_MAX)
    # V1 pretrained (frozen) embedding table
    emb = jax.random.normal(k2, (N_F0_BINS, V1_DIM), dtype=jnp.float32)
    # proj: Linear(768->512) -> GELU -> Linear(512->512)
    W1 = jax.random.normal(k3, (V1_DIM, HIDDEN_DIM), dtype=jnp.float32) * (1.0 / np.sqrt(V1_DIM))
    b1 = jnp.zeros((HIDDEN_DIM,), dtype=jnp.float32)
    W2 = jax.random.normal(k4, (HIDDEN_DIM, HIDDEN_DIM), dtype=jnp.float32) * (1.0 / np.sqrt(HIDDEN_DIM))
    b2 = jnp.zeros((HIDDEN_DIM,), dtype=jnp.float32)
    return {"f0": f0, "emb": emb, "W1": W1, "b1": b1, "W2": W2, "b2": b2}


def reference(f0, emb, W1, b1, W2, b2):
    f0_coarse = f0_to_coarse(f0)                      # (B, T) int32 in [1, 255]
    f0_emb = jnp.take(emb, f0_coarse, axis=0)          # (B, T, 768) embedding gather
    h = jax.nn.gelu(f0_emb @ W1 + b1, approximate=False)  # torch nn.GELU default = exact erf
    f0_features = h @ W2 + b2                          # (B, T, 512)
    return f0_features

if __name__ == "__main__":
    import jax
    _d = setup_inputs()
    print(jax.jit(kernel)(*tuple(_d.values())))

</pallas_src>

<mosaic_0001>
#map = affine_map<(d0, d1) -> (0)>
#map1 = affine_map<(d0, d1) -> (0, 0)>
module attributes {stable_mosaic.version = 14 : i64} {
  func.func @k(%arg0: i32, %arg1: i32, %arg2: memref<131072xf32, #tpu.memory_space<hbm>>, %arg3: memref<512x128xi32, #tpu.memory_space<hbm>>, %arg4: memref<65536x512xf32, #tpu.memory_space<hbm>>, %arg5: memref<130560xf32, #tpu.memory_space<vmem>>, %arg6: memref<128xi32, #tpu.memory_space<vmem>>, %arg7: memref<!tpu.dma_semaphore, #tpu.memory_space<semaphore_mem>>, %arg8: memref<!tpu.dma_semaphore, #tpu.memory_space<semaphore_mem>>) attributes {dimension_semantics = [#tpu.dimension_semantics<core_parallel>, #tpu.dimension_semantics<subcore_parallel>], iteration_bounds = array<i64: 2, 16>, scalar_prefetch = 0 : i64, scratch_operands = 4 : i64, tpu.core_type = #tpu.core_type<sc_vector_subcore>, window_params = [{transform_indices = #map}, {transform_indices = #map1}, {transform_indices = #map1}]} {
    %mul3A = arith.constant 2 : i32
    %mul3A_0 = arith.muli %arg1, %mul3A : i32
    %add3A = arith.addi %mul3A_0, %arg0 : i32
    %mul3A_1 = arith.constant 2048 : i32
    %mul3A_2 = arith.muli %add3A, %mul3A_1 : i32
    "tpu.region"() ({
      %run_scoped3A = tpu.sem_alloc : memref<!tpu.dma_semaphore, #tpu.memory_space<semaphore_mem>>
      %dma_start3A = arith.constant 512 : i32
      %dma_start3A_23 = tpu.memref_slice %arg2[%dma_start3A] : memref<131072xf32, #tpu.memory_space<hbm>> -> memref<130560xf32, #tpu.memory_space<hbm>>
      %dma_start3A_24 = arith.constant 512 : i32
      %dma_start3A_25 = tpu.memref_slice %arg2[%dma_start3A_24] : memref<131072xf32, #tpu.memory_space<hbm>> -> memref<130560xf32, #tpu.memory_space<hbm>>
      tpu.enqueue_dma source(%dma_start3A_25 : memref<130560xf32, #tpu.memory_space<hbm>>) target(%arg5 : memref<130560xf32, #tpu.memory_space<vmem>>) target_semaphore(%run_scoped3A : memref<!tpu.dma_semaphore, #tpu.memory_space<semaphore_mem>>)
      %dma_wait3A_26 = arith.constant 512 : i32
      %dma_wait3A_27 = tpu.memref_slice %arg2[%dma_wait3A_26] : memref<131072xf32, #tpu.memory_space<hbm>> -> memref<130560xf32, #tpu.memory_space<hbm>>
      %dma_wait3A_28 = arith.constant 512 : i32
      %dma_wait3A_29 = tpu.memref_slice %arg2[%dma_wait3A_28] : memref<131072xf32, #tpu.memory_space<hbm>> -> memref<130560xf32, #tpu.memory_space<hbm>>
      tpu.wait_dma2 semaphore(%run_scoped3A : memref<!tpu.dma_semaphore, #tpu.memory_space<semaphore_mem>>) src(%dma_wait3A_29 : memref<130560xf32, #tpu.memory_space<hbm>>) dst(%arg5 : memref<130560xf32, #tpu.memory_space<vmem>>)
      tpu.yield
    }) : () -> ()
    %mul3A_3 = arith.constant 16 : i32
    %mul3A_4 = arith.muli %add3A, %mul3A_3 : i32
    %add3A_5 = arith.constant 0 : i32
    %add3A_6 = arith.addi %mul3A_4, %add3A_5 : i32
    "tpu.region"() ({
      %run_scoped3A = tpu.sem_alloc : memref<!tpu.dma_semaphore, #tpu.memory_space<semaphore_mem>>
      %dma_start3A = arith.constant 0 : i32
      %dma_start3A_23 = tpu.memref_slice %arg3[%add3A_6, %dma_start3A] : memref<512x128xi32, #tpu.memory_space<hbm>> -> memref<1x128xi32, #tpu.memory_space<hbm>>
      %dma_start3A_24 = tpu.memref_squeeze %dma_start3A_23 : memref<1x128xi32, #tpu.memory_space<hbm>> -> memref<128xi32, #tpu.memory_space<hbm>>
      %dma_start3A_25 = arith.constant 0 : i32
      %dma_start3A_26 = tpu.memref_slice %arg3[%add3A_6, %dma_start3A_25] : memref<512x128xi32, #tpu.memory_space<hbm>> -> memref<1x128xi32, #tpu.memory_space<hbm>>
      %dma_start3A_27 = tpu.memref_squeeze %dma_start3A_26 : memref<1x128xi32, #tpu.memory_space<hbm>> -> memref<128xi32, #tpu.memory_space<hbm>>
      tpu.enqueue_dma source(%dma_start3A_27 : memref<128xi32, #tpu.memory_space<hbm>>) target(%arg6 : memref<128xi32, #tpu.memory_space<vmem>>) target_semaphore(%run_scoped3A : memref<!tpu.dma_semaphore, #tpu.memory_space<semaphore_mem>>)
      %dma_wait3A_28 = arith.constant 0 : i32
      %dma_wait3A_29 = tpu.memref_slice %arg3[%add3A_6, %dma_wait3A_28] : memref<512x128xi32, #tpu.memory_space<hbm>> -> memref<1x128xi32, #tpu.memory_space<hbm>>
      %dma_wait3A_30 = tpu.memref_squeeze %dma_wait3A_29 : memref<1x128xi32, #tpu.memory_space<hbm>> -> memref<128xi32, #tpu.memory_space<hbm>>
      %dma_wait3A_31 = arith.constant 0 : i32
      %dma_wait3A_32 = tpu.memref_slice %arg3[%add3A_6, %dma_wait3A_31] : memref<512x128xi32, #tpu.memory_space<hbm>> -> memref<1x128xi32, #tpu.memory_space<hbm>>
      %dma_wait3A_33 = tpu.memref_squeeze %dma_wait3A_32 : memref<1x128xi32, #tpu.memory_space<hbm>> -> memref<128xi32, #tpu.memory_space<hbm>>
      tpu.wait_dma2 semaphore(%run_scoped3A : memref<!tpu.dma_semaphore, #tpu.memory_space<semaphore_mem>>) src(%dma_wait3A_33 : memref<128xi32, #tpu.memory_space<hbm>>) dst(%arg6 : memref<128xi32, #tpu.memory_space<vmem>>)
      tpu.yield
    }) : () -> ()
    %scan3A = arith.constant 0 : i32
    %scan3A_7 = arith.constant 0 : i32
    %scan3A_8 = arith.constant 8 : i32
    %scan3A_9 = arith.addi %scan3A_7, %scan3A_8 : i32
    %scan3A_10 = arith.constant 1 : i32
    scf.for %scan3A_23 = %scan3A_7 to %scan3A_9 step %scan3A_10  : i32 {
      %mul3A_24 = arith.constant 16 : i32
      %mul3A_25 = arith.muli %scan3A_23, %mul3A_24 : i32
      %get3A = arith.index_cast %mul3A_25 : i32 to index
      %get3A_26 = tpu.vector_load %arg6[%get3A] {strides = array<i32>} : memref<128xi32, #tpu.memory_space<vmem>>, vector<16xi32>,
      %get3A_27 = vector.shape_cast %get3A_26 : vector<16xi32> to vector<16xi32>
      %slice3A = vector.extract_strided_slice %get3A_27 {offsets = [0], sizes = [1], strides = [1]} : vector<16xi32> to vector<1xi32>
      %squeeze3A = vector.extract %slice3A[0] : i32 from vector<1xi32>
      %multiple_of3A = tpu.assume_multiple %squeeze3A, 512 : i32
      %add3A_28 = arith.constant 0 : i32
      %add3A_29 = arith.addi %mul3A_2, %add3A_28 : i32
      %mul3A_30 = arith.constant 16 : i32
      %mul3A_31 = arith.muli %scan3A_23, %mul3A_30 : i32
      %add3A_32 = arith.addi %add3A_29, %mul3A_31 : i32
      %add3A_33 = arith.constant 0 : i32
      %add3A_34 = arith.addi %add3A_32, %add3A_33 : i32
      %dma_start3A = tpu.memref_slice %arg5[%multiple_of3A] : memref<130560xf32, #tpu.memory_space<vmem>> -> memref<512xf32, #tpu.memory_space<vmem>>
      %dma_start3A_35 = arith.constant 0 : i32
      %dma_start3A_36 = tpu.memref_slice %arg4[%add3A_34, %dma_start3A_35] : memref<65536x512xf32, #tpu.memory_space<hbm>> -> memref<1x512xf32, #tpu.memory_space<hbm>>
      %dma_start3A_37 = tpu.memref_squeeze %dma_start3A_36 : memref<1x512xf32, #tpu.memory_space<hbm>> -> memref<512xf32, #tpu.memory_space<hbm>>
      %dma_start3A_38 = arith.constant 0 : i32
      %dma_start3A_39 = tpu.memref_slice %arg4[%add3A_34, %dma_start3A_38] : memref<65536x512xf32, #tpu.memory_space<hbm>> -> memref<1x512xf32, #tpu.memory_space<hbm>>
      %dma_start3A_40 = tpu.memref_squeeze %dma_start3A_39 : memref<1x512xf32, #tpu.memory_space<hbm>> -> memref<512xf32, #tpu.memory_space<hbm>>
      %dma_start3A_41 = tpu.memref_slice %arg5[%multiple_of3A] : memref<130560xf32, #tpu.memory_space<vmem>> -> memref<512xf32, #tpu.memory_space<vmem>>
      tpu.enqueue_dma source(%dma_start3A_41 : memref<512xf32, #tpu.memory_space<vmem>>) target(%dma_start3A_40 : memref<512xf32, #tpu.memory_space<hbm>>) target_semaphore(%arg7 : memref<!tpu.dma_semaphore, #tpu.memory_space<semaphore_mem>>)
      %slice3A_42 = vector.extract_strided_slice %get3A_27 {offsets = [1], sizes = [1], strides = [1]} : vector<16xi32> to vector<1xi32>
      %squeeze3A_43 = vector.extract %slice3A_42[0] : i32 from vector<1xi32>
      %multiple_of3A_44 = tpu.assume_multiple %squeeze3A_43, 512 : i32
      %add3A_45 = arith.constant 0 : i32
      %add3A_46 = arith.addi %mul3A_2, %add3A_45 : i32
      %mul3A_47 = arith.constant 16 : i32
      %mul3A_48 = arith.muli %scan3A_23, %mul3A_47 : i32
      %add3A_49 = arith.addi %add3A_46, %mul3A_48 : i32
      %add3A_50 = arith.constant 1 : i32
      %add3A_51 = arith.addi %add3A_49, %add3A_50 : i32
      %dma_start3A_52 = tpu.memref_slice %arg5[%multiple_of3A_44] : memref<130560xf32, #tpu.memory_space<vmem>> -> memref<512xf32, #tpu.memory_space<vmem>>
      %dma_start3A_53 = arith.constant 0 : i32
      %dma_start3A_54 = tpu.memref_slice %arg4[%add3A_51, %dma_start3A_53] : memref<65536x512xf32, #tpu.memory_space<hbm>> -> memref<1x512xf32, #tpu.memory_space<hbm>>
      %dma_start3A_55 = tpu.memref_squeeze %dma_start3A_54 : memref<1x512xf32, #tpu.memory_space<hbm>> -> memref<512xf32, #tpu.memory_space<hbm>>
      %dma_start3A_56 = arith.constant 0 : i32
      %dma_start3A_57 = tpu.memref_slice %arg4[%add3A_51, %dma_start3A_56] : memref<65536x512xf32, #tpu.memory_space<hbm>> -> memref<1x512xf32, #tpu.memory_space<hbm>>
      %dma_start3A_58 = tpu.memref_squeeze %dma_start3A_57 : memref<1x512xf32, #tpu.memory_space<hbm>> -> memref<512xf32, #tpu.memory_space<hbm>>
      %dma_start3A_59 = tpu.memref_slice %arg5[%multiple_of3A_44] : memref<130560xf32, #tpu.memory_space<vmem>> -> memref<512xf32, #tpu.memory_space<vmem>>
      tpu.enqueue_dma source(%dma_start3A_59 : memref<512xf32, #tpu.memory_space<vmem>>) target(%dma_start3A_58 : memref<512xf32, #tpu.memory_space<hbm>>) target_semaphore(%arg7 : memref<!tpu.dma_semaphore, #tpu.memory_space<semaphore_mem>>)
      %slice3A_60 = vector.extract_strided_slice %get3A_27 {offsets = [2], sizes = [1], strides = [1]} : vector<16xi32> to vector<1xi32>
      %squeeze3A_61 = vector.extract %slice3A_60[0] : i32 from vector<1xi32>
      %multiple_of3A_62 = tpu.assume_multiple %squeeze3A_61, 512 : i32
      %add3A_63 = arith.constant 0 : i32
      %add3A_64 = arith.addi %mul3A_2, %add3A_63 : i32
      %mul3A_65 = arith.constant 16 : i32
      %mul3A_66 = arith.muli %scan3A_23, %mul3A_65 : i32
      %add3A_67 = arith.addi %add3A_64, %mul3A_66 : i32
      %add3A_68 = arith.constant 2 : i32
      %add3A_69 = arith.addi %add3A_67, %add3A_68 : i32
      %dma_start3A_70 = tpu.memref_slice %arg5[%multiple_of3A_62] : memref<130560xf32, #tpu.memory_space<vmem>> -> memref<512xf32, #tpu.memory_space<vmem>>
      %dma_start3A_71 = arith.constant 0 : i32
      %dma_start3A_72 = tpu.memref_slice %arg4[%add3A_69, %dma_start3A_71] : memref<65536x512xf32, #tpu.memory_space<hbm>> -> memref<1x512xf32, #tpu.memory_space<hbm>>
      %dma_start3A_73 = tpu.memref_squeeze %dma_start3A_72 : memref<1x512xf32, #tpu.memory_space<hbm>> -> memref<512xf32, #tpu.memory_space<hbm>>
      %dma_start3A_74 = arith.constant 0 : i32
      %dma_start3A_75 = tpu.memref_slice %arg4[%add3A_69, %dma_start3A_74] : memref<65536x512xf32, #tpu.memory_space<hbm>> -> memref<1x512xf32, #tpu.memory_space<hbm>>
      %dma_start3A_76 = tpu.memref_squeeze %dma_start3A_75 : memref<1x512xf32, #tpu.memory_space<hbm>> -> memref<512xf32, #tpu.memory_space<hbm>>
      %dma_start3A_77 = tpu.memref_slice %arg5[%multiple_of3A_62] : memref<130560xf32, #tpu.memory_space<vmem>> -> memref<512xf32, #tpu.memory_space<vmem>>
      tpu.enqueue_dma source(%dma_start3A_77 : memref<512xf32, #tpu.memory_space<vmem>>) target(%dma_start3A_76 : memref<512xf32, #tpu.memory_space<hbm>>) target_semaphore(%arg7 : memref<!tpu.dma_semaphore, #tpu.memory_space<semaphore_mem>>)
      %slice3A_78 = vector.extract_strided_slice %get3A_27 {offsets = [3], sizes = [1], strides = [1]} : vector<16xi32> to vector<1xi32>
      %squeeze3A_79 = vector.extract %slice3A_78[0] : i32 from vector<1xi32>
      %multiple_of3A_80 = tpu.assume_multiple %squeeze3A_79, 512 : i32
      %add3A_81 = arith.constant 0 : i32
      %add3A_82 = arith.addi %mul3A_2, %add3A_81 : i32
      %mul3A_83 = arith.constant 16 : i32
      %mul3A_84 = arith.muli %scan3A_23, %mul3A_83 : i32
      %add3A_85 = arith.addi %add3A_82, %mul3A_84 : i32
      %add3A_86 = arith.constant 3 : i32
      %add3A_87 = arith.addi %add3A_85, %add3A_86 : i32
      %dma_start3A_88 = tpu.memref_slice %arg5[%multiple_of3A_80] : memref<130560xf32, #tpu.memory_space<vmem>> -> memref<512xf32, #tpu.memory_space<vmem>>
      %dma_start3A_89 = arith.constant 0 : i32
      %dma_start3A_90 = tpu.memref_slice %arg4[%add3A_87, %dma_start3A_89] : memref<65536x512xf32, #tpu.memory_space<hbm>> -> memref<1x512xf32, #tpu.memory_space<hbm>>
      %dma_start3A_91 = tpu.memref_squeeze %dma_start3A_90 : memref<1x512xf32, #tpu.memory_space<hbm>> -> memref<512xf32, #tpu.memory_space<hbm>>
      %dma_start3A_92 = arith.constant 0 : i32
      %dma_start3A_93 = tpu.memref_slice %arg4[%add3A_87, %dma_start3A_92] : memref<65536x512xf32, #tpu.memory_space<hbm>> -> memref<1x512xf32, #tpu.memory_space<hbm>>
      %dma_start3A_94 = tpu.memref_squeeze %dma_start3A_93 : memref<1x512xf32, #tpu.memory_space<hbm>> -> memref<512xf32, #tpu.memory_space<hbm>>
      %dma_start3A_95 = tpu.memref_slice %arg5[%multiple_of3A_80] : memref<130560xf32, #tpu.memory_space<vmem>> -> memref<512xf32, #tpu.memory_space<vmem>>
      tpu.enqueue_dma source(%dma_start3A_95 : memref<512xf32, #tpu.memory_space<vmem>>) target(%dma_start3A_94 : memref<512xf32, #tpu.memory_space<hbm>>) target_semaphore(%arg7 : memref<!tpu.dma_semaphore, #tpu.memory_space<semaphore_mem>>)
      %slice3A_96 = vector.extract_strided_slice %get3A_27 {offsets = [4], sizes = [1], strides = [1]} : vector<16xi32> to vector<1xi32>
      %squeeze3A_97 = vector.extract %slice3A_96[0] : i32 from vector<1xi32>
      %multiple_of3A_98 = tpu.assume_multiple %squeeze3A_97, 512 : i32
      %add3A_99 = arith.constant 0 : i32
      %add3A_100 = arith.addi %mul3A_2, %add3A_99 : i32
      %mul3A_101 = arith.constant 16 : i32
      %mul3A_102 = arith.muli %scan3A_23, %mul3A_101 : i32
      %add3A_103 = arith.addi %add3A_100, %mul3A_102 : i32
      %add3A_104 = arith.constant 4 : i32
      %add3A_105 = arith.addi %add3A_103, %add3A_104 : i32
      %dma_start3A_106 = tpu.memref_slice %arg5[%multiple_of3A_98] : memref<130560xf32, #tpu.memory_space<vmem>> -> memref<512xf32, #tpu.memory_space<vmem>>
      %dma_start3A_107 = arith.constant 0 : i32
      %dma_start3A_108 = tpu.memref_slice %arg4[%add3A_105, %dma_start3A_107] : memref<65536x512xf32, #tpu.memory_space<hbm>> -> memref<1x512xf32, #tpu.memory_space<hbm>>
      %dma_start3A_109 = tpu.memref_squeeze %dma_start3A_108 : memref<1x512xf32, #tpu.memory_space<hbm>> -> memref<512xf32, #tpu.memory_space<hbm>>
      %dma_start3A_110 = arith.constant 0 : i32
      %dma_start3A_111 = tpu.memref_slice %arg4[%add3A_105, %dma_start3A_110] : memref<65536x512xf32, #tpu.memory_space<hbm>> -> memref<1x512xf32, #tpu.memory_space<hbm>>
      %dma_start3A_112 = tpu.memref_squeeze %dma_start3A_111 : memref<1x512xf32, #tpu.memory_space<hbm>> -> memref<512xf32, #tpu.memory_space<hbm>>
      %dma_start3A_113 = tpu.memref_slice %arg5[%multiple_of3A_98] : memref<130560xf32, #tpu.memory_space<vmem>> -> memref<512xf32, #tpu.memory_space<vmem>>
      tpu.enqueue_dma source(%dma_start3A_113 : memref<512xf32, #tpu.memory_space<vmem>>) target(%dma_start3A_112 : memref<512xf32, #tpu.memory_space<hbm>>) target_semaphore(%arg7 : memref<!tpu.dma_semaphore, #tpu.memory_space<semaphore_mem>>)
      %slice3A_114 = vector.extract_strided_slice %get3A_27 {offsets = [5], sizes = [1], strides = [1]} : vector<16xi32> to vector<1xi32>
      %squeeze3A_115 = vector.extract %slice3A_114[0] : i32 from vector<1xi32>
      %multiple_of3A_116 = tpu.assume_multiple %squeeze3A_115, 512 : i32
      %add3A_117 = arith.constant 0 : i32
      %add3A_118 = arith.addi %mul3A_2, %add3A_117 : i32
      %mul3A_119 = arith.constant 16 : i32
      %mul3A_120 = arith.muli %scan3A_23, %mul3A_119 : i32
      %add3A_121 = arith.addi %add3A_118, %mul3A_120 : i32
      %add3A_122 = arith.constant 5 : i32
      %add3A_123 = arith.addi %add3A_121, %add3A_122 : i32
      %dma_start3A_124 = tpu.memref_slice %arg5[%multiple_of3A_116] : memref<130560xf32, #tpu.memory_space<vmem>> -> memref<512xf32, #tpu.memory_space<vmem>>
      %dma_start3A_125 = arith.constant 0 : i32
      %dma_start3A_126 = tpu.memref_slice %arg4[%add3A_123, %dma_start3A_125] : memref<65536x512xf32, #tpu.memory_space<hbm>> -> memref<1x512xf32, #tpu.memory_space<hbm>>
      %dma_start3A_127 = tpu.memref_squeeze %dma_start3A_126 : memref<1x512xf32, #tpu.memory_space<hbm>> -> memref<512xf32, #tpu.memory_space<hbm>>
      %dma_start3A_128 = arith.constant 0 : i32
      %dma_start3A_129 = tpu.memref_slice %arg4[%add3A_123, %dma_start3A_128] : memref<65536x512xf32, #tpu.memory_space<hbm>> -> memref<1x512xf32, #tpu.memory_space<hbm>>
      %dma_start3A_130 = tpu.memref_squeeze %dma_start3A_129 : memref<1x512xf32, #tpu.memory_space<hbm>> -> memref<512xf32, #tpu.memory_space<hbm>>
      %dma_start3A_131 = tpu.memref_slice %arg5[%multiple_of3A_116] : memref<130560xf32, #tpu.memory_space<vmem>> -> memref<512xf32, #tpu.memory_space<vmem>>
      tpu.enqueue_dma source(%dma_start3A_131 : memref<512xf32, #tpu.memory_space<vmem>>) target(%dma_start3A_130 : memref<512xf32, #tpu.memory_space<hbm>>) target_semaphore(%arg7 : memref<!tpu.dma_semaphore, #tpu.memory_space<semaphore_mem>>)
      %slice3A_132 = vector.extract_strided_slice %get3A_27 {offsets = [6], sizes = [1], strides = [1]} : vector<16xi32> to vector<1xi32>
      %squeeze3A_133 = vector.extract %slice3A_132[0] : i32 from vector<1xi32>
      %multiple_of3A_134 = tpu.assume_multiple %squeeze3A_133, 512 : i32
      %add3A_135 = arith.constant 0 : i32
      %add3A_136 = arith.addi %mul3A_2, %add3A_135 : i32
      %mul3A_137 = arith.constant 16 : i32
      %mul3A_138 = arith.muli %scan3A_23, %mul3A_137 : i32
      %add3A_139 = arith.addi %add3A_136, %mul3A_138 : i32
      %add3A_140 = arith.constant 6 : i32
      %add3A_141 = arith.addi %add3A_139, %add3A_140 : i32
      %dma_start3A_142 = tpu.memref_slice %arg5[%multiple_of3A_134] : memref<130560xf32, #tpu.memory_space<vmem>> -> memref<512xf32, #tpu.memory_space<vmem>>
      %dma_start3A_143 = arith.constant 0 : i32
      %dma_start3A_144 = tpu.memref_slice %arg4[%add3A_141, %dma_start3A_143] : memref<65536x512xf32, #tpu.memory_space<hbm>> -> memref<1x512xf32, #tpu.memory_space<hbm>>
      %dma_start3A_145 = tpu.memref_squeeze %dma_start3A_144 : memref<1x512xf32, #tpu.memory_space<hbm>> -> memref<512xf32, #tpu.memory_space<hbm>>
      %dma_start3A_146 = arith.constant 0 : i32
      %dma_start3A_147 = tpu.memref_slice %arg4[%add3A_141, %dma_start3A_146] : memref<65536x512xf32, #tpu.memory_space<hbm>> -> memref<1x512xf32, #tpu.memory_space<hbm>>
      %dma_start3A_148 = tpu.memref_squeeze %dma_start3A_147 : memref<1x512xf32, #tpu.memory_space<hbm>> -> memref<512xf32, #tpu.memory_space<hbm>>
      %dma_start3A_149 = tpu.memref_slice %arg5[%multiple_of3A_134] : memref<130560xf32, #tpu.memory_space<vmem>> -> memref<512xf32, #tpu.memory_space<vmem>>
      tpu.enqueue_dma source(%dma_start3A_149 : memref<512xf32, #tpu.memory_space<vmem>>) target(%dma_start3A_148 : memref<512xf32, #tpu.memory_space<hbm>>) target_semaphore(%arg7 : memref<!tpu.dma_semaphore, #tpu.memory_space<semaphore_mem>>)
      %slice3A_150 = vector.extract_strided_slice %get3A_27 {offsets = [7], sizes = [1], strides = [1]} : vector<16xi32> to vector<1xi32>
      %squeeze3A_151 = vector.extract %slice3A_150[0] : i32 from vector<1xi32>
      %multiple_of3A_152 = tpu.assume_multiple %squeeze3A_151, 512 : i32
      %add3A_153 = arith.constant 0 : i32
      %add3A_154 = arith.addi %mul3A_2, %add3A_153 : i32
      %mul3A_155 = arith.constant 16 : i32
      %mul3A_156 = arith.muli %scan3A_23, %mul3A_155 : i32
      %add3A_157 = arith.addi %add3A_154, %mul3A_156 : i32
      %add3A_158 = arith.constant 7 : i32
      %add3A_159 = arith.addi %add3A_157, %add3A_158 : i32
      %dma_start3A_160 = tpu.memref_slice %arg5[%multiple_of3A_152] : memref<130560xf32, #tpu.memory_space<vmem>> -> memref<512xf32, #tpu.memory_space<vmem>>
      %dma_start3A_161 = arith.constant 0 : i32
      %dma_start3A_162 = tpu.memref_slice %arg4[%add3A_159, %dma_start3A_161] : memref<65536x512xf32, #tpu.memory_space<hbm>> -> memref<1x512xf32, #tpu.memory_space<hbm>>
      %dma_start3A_163 = tpu.memref_squeeze %dma_start3A_162 : memref<1x512xf32, #tpu.memory_space<hbm>> -> memref<512xf32, #tpu.memory_space<hbm>>
      %dma_start3A_164 = arith.constant 0 : i32
      %dma_start3A_165 = tpu.memref_slice %arg4[%add3A_159, %dma_start3A_164] : memref<65536x512xf32, #tpu.memory_space<hbm>> -> memref<1x512xf32, #tpu.memory_space<hbm>>
      %dma_start3A_166 = tpu.memref_squeeze %dma_start3A_165 : memref<1x512xf32, #tpu.memory_space<hbm>> -> memref<512xf32, #tpu.memory_space<hbm>>
      %dma_start3A_167 = tpu.memref_slice %arg5[%multiple_of3A_152] : memref<130560xf32, #tpu.memory_space<vmem>> -> memref<512xf32, #tpu.memory_space<vmem>>
      tpu.enqueue_dma source(%dma_start3A_167 : memref<512xf32, #tpu.memory_space<vmem>>) target(%dma_start3A_166 : memref<512xf32, #tpu.memory_space<hbm>>) target_semaphore(%arg7 : memref<!tpu.dma_semaphore, #tpu.memory_space<semaphore_mem>>)
      %slice3A_168 = vector.extract_strided_slice %get3A_27 {offsets = [8], sizes = [1], strides = [1]} : vector<16xi32> to vector<1xi32>
      %squeeze3A_169 = vector.extract %slice3A_168[0] : i32 from vector<1xi32>
      %multiple_of3A_170 = tpu.assume_multiple %squeeze3A_169, 512 : i32
      %add3A_171 = arith.constant 0 : i32
      %add3A_172 = arith.addi %mul3A_2, %add3A_171 : i32
      %mul3A_173 = arith.constant 16 : i32
      %mul3A_174 = arith.muli %scan3A_23, %mul3A_173 : i32
      %add3A_175 = arith.addi %add3A_172, %mul3A_174 : i32
      %add3A_176 = arith.constant 8 : i32
      %add3A_177 = arith.addi %add3A_175, %add3A_176 : i32
      %dma_start3A_178 = tpu.memref_slice %arg5[%multiple_of3A_170] : memref<130560xf32, #tpu.memory_space<vmem>> -> memref<512xf32, #tpu.memory_space<vmem>>
      %dma_start3A_179 = arith.constant 0 : i32
      %dma_start3A_180 = tpu.memref_slice %arg4[%add3A_177, %dma_start3A_179] : memref<65536x512xf32, #tpu.memory_space<hbm>> -> memref<1x512xf32, #tpu.memory_space<hbm>>
      %dma_start3A_181 = tpu.memref_squeeze %dma_start3A_180 : memref<1x512xf32, #tpu.memory_space<hbm>> -> memref<512xf32, #tpu.memory_space<hbm>>
      %dma_start3A_182 = arith.constant 0 : i32
      %dma_start3A_183 = tpu.memref_slice %arg4[%add3A_177, %dma_start3A_182] : memref<65536x512xf32, #tpu.memory_space<hbm>> -> memref<1x512xf32, #tpu.memory_space<hbm>>
      %dma_start3A_184 = tpu.memref_squeeze %dma_start3A_183 : memref<1x512xf32, #tpu.memory_space<hbm>> -> memref<512xf32, #tpu.memory_space<hbm>>
      %dma_start3A_185 = tpu.memref_slice %arg5[%multiple_of3A_170] : memref<130560xf32, #tpu.memory_space<vmem>> -> memref<512xf32, #tpu.memory_space<vmem>>
      tpu.enqueue_dma source(%dma_start3A_185 : memref<512xf32, #tpu.memory_space<vmem>>) target(%dma_start3A_184 : memref<512xf32, #tpu.memory_space<hbm>>) target_semaphore(%arg7 : memref<!tpu.dma_semaphore, #tpu.memory_space<semaphore_mem>>)
      %slice3A_186 = vector.extract_strided_slice %get3A_27 {offsets = [9], sizes = [1], strides = [1]} : vector<16xi32> to vector<1xi32>
      %squeeze3A_187 = vector.extract %slice3A_186[0] : i32 from vector<1xi32>
      %multiple_of3A_188 = tpu.assume_multiple %squeeze3A_187, 512 : i32
      %add3A_189 = arith.constant 0 : i32
      %add3A_190 = arith.addi %mul3A_2, %add3A_189 : i32
      %mul3A_191 = arith.constant 16 : i32
      %mul3A_192 = arith.muli %scan3A_23, %mul3A_191 : i32
      %add3A_193 = arith.addi %add3A_190, %mul3A_192 : i32
      %add3A_194 = arith.constant 9 : i32
      %add3A_195 = arith.addi %add3A_193, %add3A_194 : i32
      %dma_start3A_196 = tpu.memref_slice %arg5[%multiple_of3A_188] : memref<130560xf32, #tpu.memory_space<vmem>> -> memref<512xf32, #tpu.memory_space<vmem>>
      %dma_start3A_197 = arith.constant 0 : i32
      %dma_start3A_198 = tpu.memref_slice %arg4[%add3A_195, %dma_start3A_197] : memref<65536x512xf32, #tpu.memory_space<hbm>> -> memref<1x512xf32, #tpu.memory_space<hbm>>
      %dma_start3A_199 = tpu.memref_squeeze %dma_start3A_198 : memref<1x512xf32, #tpu.memory_space<hbm>> -> memref<512xf32, #tpu.memory_space<hbm>>
      %dma_start3A_200 = arith.constant 0 : i32
      %dma_start3A_201 = tpu.memref_slice %arg4[%add3A_195, %dma_start3A_200] : memref<65536x512xf32, #tpu.memory_space<hbm>> -> memref<1x512xf32, #tpu.memory_space<hbm>>
      %dma_start3A_202 = tpu.memref_squeeze %dma_start3A_201 : memref<1x512xf32, #tpu.memory_space<hbm>> -> memref<512xf32, #tpu.memory_space<hbm>>
      %dma_start3A_203 = tpu.memref_slice %arg5[%multiple_of3A_188] : memref<130560xf32, #tpu.memory_space<vmem>> -> memref<512xf32, #tpu.memory_space<vmem>>
      tpu.enqueue_dma source(%dma_start3A_203 : memref<512xf32, #tpu.memory_space<vmem>>) target(%dma_start3A_202 : memref<512xf32, #tpu.memory_space<hbm>>) target_semaphore(%arg7 : memref<!tpu.dma_semaphore, #tpu.memory_space<semaphore_mem>>)
      %slice3A_204 = vector.extract_strided_slice %get3A_27 {offsets = [10], sizes = [1], strides = [1]} : vector<16xi32> to vector<1xi32>
      %squeeze3A_205 = vector.extract %slice3A_204[0] : i32 from vector<1xi32>
      %multiple_of3A_206 = tpu.assume_multiple %squeeze3A_205, 512 : i32
      %add3A_207 = arith.constant 0 : i32
      %add3A_208 = arith.addi %mul3A_2, %add3A_207 : i32
      %mul3A_209 = arith.constant 16 : i32
      %mul3A_210 = arith.muli %scan3A_23, %mul3A_209 : i32
      %add3A_211 = arith.addi %add3A_208, %mul3A_210 : i32
      %add3A_212 = arith.constant 10 : i32
      %add3A_213 = arith.addi %add3A_211, %add3A_212 : i32
      %dma_start3A_214 = tpu.memref_slice %arg5[%multiple_of3A_206] : memref<130560xf32, #tpu.memory_space<vmem>> -> memref<512xf32, #tpu.memory_space<vmem>>
      %dma_start3A_215 = arith.constant 0 : i32
      %dma_start3A_216 = tpu.memref_slice %arg4[%add3A_213, %dma_start3A_215] : memref<65536x512xf32, #tpu.memory_space<hbm>> -> memref<1x512xf32, #tpu.memory_space<hbm>>
      %dma_start3A_217 = tpu.memref_squeeze %dma_start3A_216 : memref<1x512xf32, #tpu.memory_space<hbm>> -> memref<512xf32, #tpu.memory_space<hbm>>
      %dma_start3A_218 = arith.constant 0 : i32
      %dma_start3A_219 = tpu.memref_slice %arg4[%add3A_213, %dma_start3A_218] : memref<65536x512xf32, #tpu.memory_space<hbm>> -> memref<1x512xf32, #tpu.memory_space<hbm>>
      %dma_start3A_220 = tpu.memref_squeeze %dma_start3A_219 : memref<1x512xf32, #tpu.memory_space<hbm>> -> memref<512xf32, #tpu.memory_space<hbm>>
      %dma_start3A_221 = tpu.memref_slice %arg5[%multiple_of3A_206] : memref<130560xf32, #tpu.memory_space<vmem>> -> memref<512xf32, #tpu.memory_space<vmem>>
      tpu.enqueue_dma source(%dma_start3A_221 : memref<512xf32, #tpu.memory_space<vmem>>) target(%dma_start3A_220 : memref<512xf32, #tpu.memory_space<hbm>>) target_semaphore(%arg7 : memref<!tpu.dma_semaphore, #tpu.memory_space<semaphore_mem>>)
      %slice3A_222 = vector.extract_strided_slice %get3A_27 {offsets = [11], sizes = [1], strides = [1]} : vector<16xi32> to vector<1xi32>
      %squeeze3A_223 = vector.extract %slice3A_222[0] : i32 from vector<1xi32>
      %multiple_of3A_224 = tpu.assume_multiple %squeeze3A_223, 512 : i32
      %add3A_225 = arith.constant 0 : i32
      %add3A_226 = arith.addi %mul3A_2, %add3A_225 : i32
      %mul3A_227 = arith.constant 16 : i32
      %mul3A_228 = arith.muli %scan3A_23, %mul3A_227 : i32
      %add3A_229 = arith.addi %add3A_226, %mul3A_228 : i32
      %add3A_230 = arith.constant 11 : i32
      %add3A_231 = arith.addi %add3A_229, %add3A_230 : i32
      %dma_start3A_232 = tpu.memref_slice %arg5[%multiple_of3A_224] : memref<130560xf32, #tpu.memory_space<vmem>> -> memref<512xf32, #tpu.memory_space<vmem>>
      %dma_start3A_233 = arith.constant 0 : i32
      %dma_start3A_234 = tpu.memref_slice %arg4[%add3A_231, %dma_start3A_233] : memref<65536x512xf32, #tpu.memory_space<hbm>> -> memref<1x512xf32, #tpu.memory_space<hbm>>
      %dma_start3A_235 = tpu.memref_squeeze %dma_start3A_234 : memref<1x512xf32, #tpu.memory_space<hbm>> -> memref<512xf32, #tpu.memory_space<hbm>>
      %dma_start3A_236 = arith.constant 0 : i32
      %dma_start3A_237 = tpu.memref_slice %arg4[%add3A_231, %dma_start3A_236] : memref<65536x512xf32, #tpu.memory_space<hbm>> -> memref<1x512xf32, #tpu.memory_space<hbm>>
      %dma_start3A_238 = tpu.memref_squeeze %dma_start3A_237 : memref<1x512xf32, #tpu.memory_space<hbm>> -> memref<512xf32, #tpu.memory_space<hbm>>
      %dma_start3A_239 = tpu.memref_slice %arg5[%multiple_of3A_224] : memref<130560xf32, #tpu.memory_space<vmem>> -> memref<512xf32, #tpu.memory_space<vmem>>
      tpu.enqueue_dma source(%dma_start3A_239 : memref<512xf32, #tpu.memory_space<vmem>>) target(%dma_start3A_238 : memref<512xf32, #tpu.memory_space<hbm>>) target_semaphore(%arg7 : memref<!tpu.dma_semaphore, #tpu.memory_space<semaphore_mem>>)
      %slice3A_240 = vector.extract_strided_slice %get3A_27 {offsets = [12], sizes = [1], strides = [1]} : vector<16xi32> to vector<1xi32>
      %squeeze3A_241 = vector.extract %slice3A_240[0] : i32 from vector<1xi32>
      %multiple_of3A_242 = tpu.assume_multiple %squeeze3A_241, 512 : i32
      %add3A_243 = arith.constant 0 : i32
      %add3A_244 = arith.addi %mul3A_2, %add3A_243 : i32
      %mul3A_245 = arith.constant 16 : i32
      %mul3A_246 = arith.muli %scan3A_23, %mul3A_245 : i32
      %add3A_247 = arith.addi %add3A_244, %mul3A_246 : i32
      %add3A_248 = arith.constant 12 : i32
      %add3A_249 = arith.addi %add3A_247, %add3A_248 : i32
      %dma_start3A_250 = tpu.memref_slice %arg5[%multiple_of3A_242] : memref<130560xf32, #tpu.memory_space<vmem>> -> memref<512xf32, #tpu.memory_space<vmem>>
      %dma_start3A_251 = arith.constant 0 : i32
      %dma_start3A_252 = tpu.memref_slice %arg4[%add3A_249, %dma_start3A_251] : memref<65536x512xf32, #tpu.memory_space<hbm>> -> memref<1x512xf32, #tpu.memory_space<hbm>>
      %dma_start3A_253 = tpu.memref_squeeze %dma_start3A_252 : memref<1x512xf32, #tpu.memory_space<hbm>> -> memref<512xf32, #tpu.memory_space<hbm>>
      %dma_start3A_254 = arith.constant 0 : i32
      %dma_start3A_255 = tpu.memref_slice %arg4[%add3A_249, %dma_start3A_254] : memref<65536x512xf32, #tpu.memory_space<hbm>> -> memref<1x512xf32, #tpu.memory_space<hbm>>
      %dma_start3A_256 = tpu.memref_squeeze %dma_start3A_255 : memref<1x512xf32, #tpu.memory_space<hbm>> -> memref<512xf32, #tpu.memory_space<hbm>>
      %dma_start3A_257 = tpu.memref_slice %arg5[%multiple_of3A_242] : memref<130560xf32, #tpu.memory_space<vmem>> -> memref<512xf32, #tpu.memory_space<vmem>>
      tpu.enqueue_dma source(%dma_start3A_257 : memref<512xf32, #tpu.memory_space<vmem>>) target(%dma_start3A_256 : memref<512xf32, #tpu.memory_space<hbm>>) target_semaphore(%arg7 : memref<!tpu.dma_semaphore, #tpu.memory_space<semaphore_mem>>)
      %slice3A_258 = vector.extract_strided_slice %get3A_27 {offsets = [13], sizes = [1], strides = [1]} : vector<16xi32> to vector<1xi32>
      %squeeze3A_259 = vector.extract %slice3A_258[0] : i32 from vector<1xi32>
      %multiple_of3A_260 = tpu.assume_multiple %squeeze3A_259, 512 : i32
      %add3A_261 = arith.constant 0 : i32
      %add3A_262 = arith.addi %mul3A_2, %add3A_261 : i32
      %mul3A_263 = arith.constant 16 : i32
      %mul3A_264 = arith.muli %scan3A_23, %mul3A_263 : i32
      %add3A_265 = arith.addi %add3A_262, %mul3A_264 : i32
      %add3A_266 = arith.constant 13 : i32
      %add3A_267 = arith.addi %add3A_265, %add3A_266 : i32
      %dma_start3A_268 = tpu.memref_slice %arg5[%multiple_of3A_260] : memref<130560xf32, #tpu.memory_space<vmem>> -> memref<512xf32, #tpu.memory_space<vmem>>
      %dma_start3A_269 = arith.constant 0 : i32
      %dma_start3A_270 = tpu.memref_slice %arg4[%add3A_267, %dma_start3A_269] : memref<65536x512xf32, #tpu.memory_space<hbm>> -> memref<1x512xf32, #tpu.memory_space<hbm>>
      %dma_start3A_271 = tpu.memref_squeeze %dma_start3A_270 : memref<1x512xf32, #tpu.memory_space<hbm>> -> memref<512xf32, #tpu.memory_space<hbm>>
      %dma_start3A_272 = arith.constant 0 : i32
      %dma_start3A_273 = tpu.memref_slice %arg4[%add3A_267, %dma_start3A_272] : memref<65536x512xf32, #tpu.memory_space<hbm>> -> memref<1x512xf32, #tpu.memory_space<hbm>>
      %dma_start3A_274 = tpu.memref_squeeze %dma_start3A_273 : memref<1x512xf32, #tpu.memory_space<hbm>> -> memref<512xf32, #tpu.memory_space<hbm>>
      %dma_start3A_275 = tpu.memref_slice %arg5[%multiple_of3A_260] : memref<130560xf32, #tpu.memory_space<vmem>> -> memref<512xf32, #tpu.memory_space<vmem>>
      tpu.enqueue_dma source(%dma_start3A_275 : memref<512xf32, #tpu.memory_space<vmem>>) target(%dma_start3A_274 : memref<512xf32, #tpu.memory_space<hbm>>) target_semaphore(%arg7 : memref<!tpu.dma_semaphore, #tpu.memory_space<semaphore_mem>>)
      %slice3A_276 = vector.extract_strided_slice %get3A_27 {offsets = [14], sizes = [1], strides = [1]} : vector<16xi32> to vector<1xi32>
      %squeeze3A_277 = vector.extract %slice3A_276[0] : i32 from vector<1xi32>
      %multiple_of3A_278 = tpu.assume_multiple %squeeze3A_277, 512 : i32
      %add3A_279 = arith.constant 0 : i32
      %add3A_280 = arith.addi %mul3A_2, %add3A_279 : i32
      %mul3A_281 = arith.constant 16 : i32
      %mul3A_282 = arith.muli %scan3A_23, %mul3A_281 : i32
      %add3A_283 = arith.addi %add3A_280, %mul3A_282 : i32
      %add3A_284 = arith.constant 14 : i32
      %add3A_285 = arith.addi %add3A_283, %add3A_284 : i32
      %dma_start3A_286 = tpu.memref_slice %arg5[%multiple_of3A_278] : memref<130560xf32, #tpu.memory_space<vmem>> -> memref<512xf32, #tpu.memory_space<vmem>>
      %dma_start3A_287 = arith.constant 0 : i32
      %dma_start3A_288 = tpu.memref_slice %arg4[%add3A_285, %dma_start3A_287] : memref<65536x512xf32, #tpu.memory_space<hbm>> -> memref<1x512xf32, #tpu.memory_space<hbm>>
      %dma_start3A_289 = tpu.memref_squeeze %dma_start3A_288 : memref<1x512xf32, #tpu.memory_space<hbm>> -> memref<512xf32, #tpu.memory_space<hbm>>
      %dma_start3A_290 = arith.constant 0 : i32
      %dma_start3A_291 = tpu.memref_slice %arg4[%add3A_285, %dma_start3A_290] : memref<65536x512xf32, #tpu.memory_space<hbm>> -> memref<1x512xf32, #tpu.memory_space<hbm>>
      %dma_start3A_292 = tpu.memref_squeeze %dma_start3A_291 : memref<1x512xf32, #tpu.memory_space<hbm>> -> memref<512xf32, #tpu.memory_space<hbm>>
      %dma_start3A_293 = tpu.memref_slice %arg5[%multiple_of3A_278] : memref<130560xf32, #tpu.memory_space<vmem>> -> memref<512xf32, #tpu.memory_space<vmem>>
      tpu.enqueue_dma source(%dma_start3A_293 : memref<512xf32, #tpu.memory_space<vmem>>) target(%dma_start3A_292 : memref<512xf32, #tpu.memory_space<hbm>>) target_semaphore(%arg7 : memref<!tpu.dma_semaphore, #tpu.memory_space<semaphore_mem>>)
      %slice3A_294 = vector.extract_strided_slice %get3A_27 {offsets = [15], sizes = [1], strides = [1]} : vector<16xi32> to vector<1xi32>
      %squeeze3A_295 = vector.extract %slice3A_294[0] : i32 from vector<1xi32>
      %multiple_of3A_296 = tpu.assume_multiple %squeeze3A_295, 512 : i32
      %add3A_297 = arith.constant 0 : i32
      %add3A_298 = arith.addi %mul3A_2, %add3A_297 : i32
      %mul3A_299 = arith.constant 16 : i32
      %mul3A_300 = arith.muli %scan3A_23, %mul3A_299 : i32
      %add3A_301 = arith.addi %add3A_298, %mul3A_300 : i32
      %add3A_302 = arith.constant 15 : i32
      %add3A_303 = arith.addi %add3A_301, %add3A_302 : i32
      %dma_start3A_304 = tpu.memref_slice %arg5[%multiple_of3A_296] : memref<130560xf32, #tpu.memory_space<vmem>> -> memref<512xf32, #tpu.memory_space<vmem>>
      %dma_start3A_305 = arith.constant 0 : i32
      %dma_start3A_306 = tpu.memref_slice %arg4[%add3A_303, %dma_start3A_305] : memref<65536x512xf32, #tpu.memory_space<hbm>> -> memref<1x512xf32, #tpu.memory_space<hbm>>
      %dma_start3A_307 = tpu.memref_squeeze %dma_start3A_306 : memref<1x512xf32, #tpu.memory_space<hbm>> -> memref<512xf32, #tpu.memory_space<hbm>>
      %dma_start3A_308 = arith.constant 0 : i32
      %dma_start3A_309 = tpu.memref_slice %arg4[%add3A_303, %dma_start3A_308] : memref<65536x512xf32, #tpu.memory_space<hbm>> -> memref<1x512xf32, #tpu.memory_space<hbm>>
      %dma_start3A_310 = tpu.memref_squeeze %dma_start3A_309 : memref<1x512xf32, #tpu.memory_space<hbm>> -> memref<512xf32, #tpu.memory_space<hbm>>
      %dma_start3A_311 = tpu.memref_slice %arg5[%multiple_of3A_296] : memref<130560xf32, #tpu.memory_space<vmem>> -> memref<512xf32, #tpu.memory_space<vmem>>
      tpu.enqueue_dma source(%dma_start3A_311 : memref<512xf32, #tpu.memory_space<vmem>>) target(%dma_start3A_310 : memref<512xf32, #tpu.memory_space<hbm>>) target_semaphore(%arg7 : memref<!tpu.dma_semaphore, #tpu.memory_space<semaphore_mem>>)
    }
    %scan3A_11 = arith.constant 8 : i32
    %scan3A_12 = arith.constant 0 : i32
    %scan3A_13 = arith.constant 1 : i32
    %scan3A_14 = arith.constant 15 : i32
    %scan3A_15 = arith.addi %scan3A_13, %scan3A_14 : i32
    %scan3A_16 = arith.constant 1 : i32
    scf.for %scan3A_23 = %scan3A_13 to %scan3A_15 step %scan3A_16  : i32 {
      %mul3A_24 = arith.constant 16 : i32
      %mul3A_25 = arith.muli %add3A, %mul3A_24 : i32
      %add3A_26 = arith.addi %mul3A_25, %scan3A_23 : i32
      "tpu.region"() ({
        %run_scoped3A = tpu.sem_alloc : memref<!tpu.dma_semaphore, #tpu.memory_space<semaphore_mem>>
        %dma_start3A = arith.constant 0 : i32
        %dma_start3A_39 = tpu.memref_slice %arg3[%add3A_26, %dma_start3A] : memref<512x128xi32, #tpu.memory_space<hbm>> -> memref<1x128xi32, #tpu.memory_space<hbm>>
        %dma_start3A_40 = tpu.memref_squeeze %dma_start3A_39 : memref<1x128xi32, #tpu.memory_space<hbm>> -> memref<128xi32, #tpu.memory_space<hbm>>
        %dma_start3A_41 = arith.constant 0 : i32
        %dma_start3A_42 = tpu.memref_slice %arg3[%add3A_26, %dma_start3A_41] : memref<512x128xi32, #tpu.memory_space<hbm>> -> memref<1x128xi32, #tpu.memory_space<hbm>>
        %dma_start3A_43 = tpu.memref_squeeze %dma_start3A_42 : memref<1x128xi32, #tpu.memory_space<hbm>> -> memref<128xi32, #tpu.memory_space<hbm>>
        tpu.enqueue_dma source(%dma_start3A_43 : memref<128xi32, #tpu.memory_space<hbm>>) target(%arg6 : memref<128xi32, #tpu.memory_space<vmem>>) target_semaphore(%run_scoped3A : memref<!tpu.dma_semaphore, #tpu.memory_space<semaphore_mem>>)
        %dma_wait3A_44 = arith.constant 0 : i32
        %dma_wait3A_45 = tpu.memref_slice %arg3[%add3A_26, %dma_wait3A_44] : memref<512x128xi32, #tpu.memory_space<hbm>> -> memref<1x128xi32, #tpu.memory_space<hbm>>
        %dma_wait3A_46 = tpu.memref_squeeze %dma_wait3A_45 : memref<1x128xi32, #tpu.memory_space<hbm>> -> memref<128xi32, #tpu.memory_space<hbm>>
        %dma_wait3A_47 = arith.constant 0 : i32
        %dma_wait3A_48 = tpu.memref_slice %arg3[%add3A_26, %dma_wait3A_47] : memref<512x128xi32, #tpu.memory_space<hbm>> -> memref<1x128xi32, #tpu.memory_space<hbm>>
        %dma_wait3A_49 = tpu.memref_squeeze %dma_wait3A_48 : memref<1x128xi32, #tpu.memory_space<hbm>> -> memref<128xi32, #tpu.memory_space<hbm>>
        tpu.wait_dma2 semaphore(%run_scoped3A : memref<!tpu.dma_semaphore, #tpu.memory_space<semaphore_mem>>) src(%dma_wait3A_49 : memref<128xi32, #tpu.memory_space<hbm>>) dst(%arg6 : memref<128xi32, #tpu.memory_space<vmem>>)
        tpu.yield
      }) : () -> ()
      %scan3A_27 = arith.constant 0 : i32
      %scan3A_28 = arith.constant 0 : i32
      %scan3A_29 = arith.constant 8 : i32
      %scan3A_30 = arith.addi %scan3A_28, %scan3A_29 : i32
      %scan3A_31 = arith.constant 1 : i32
      scf.for %scan3A_39 = %scan3A_28 to %scan3A_30 step %scan3A_31  : i32 {
        %mul3A_40 = arith.constant 16 : i32
        %mul3A_41 = arith.muli %scan3A_39, %mul3A_40 : i32
        %get3A = arith.index_cast %mul3A_41 : i32 to index
        %get3A_42 = tpu.vector_load %arg6[%get3A] {strides = array<i32>} : memref<128xi32, #tpu.memory_space<vmem>>, vector<16xi32>,
        %get3A_43 = vector.shape_cast %get3A_42 : vector<16xi32> to vector<16xi32>
        %slice3A = vector.extract_strided_slice %get3A_43 {offsets = [0], sizes = [1], strides = [1]} : vector<16xi32> to vector<1xi32>
        %squeeze3A = vector.extract %slice3A[0] : i32 from vector<1xi32>
        %multiple_of3A = tpu.assume_multiple %squeeze3A, 512 : i32
        %mul3A_44 = arith.constant 128 : i32
        %mul3A_45 = arith.muli %scan3A_23, %mul3A_44 : i32
        %add3A_46 = arith.addi %mul3A_2, %mul3A_45 : i32
        %mul3A_47 = arith.constant 16 : i32
        %mul3A_48 = arith.muli %scan3A_39, %mul3A_47 : i32
        %add3A_49 = arith.addi %add3A_46, %mul3A_48 : i32
        %add3A_50 = arith.constant 0 : i32
        %add3A_51 = arith.addi %add3A_49, %add3A_50 : i32
        %dma_start3A = tpu.memref_slice %arg5[%multiple_of3A] : memref<130560xf32, #tpu.memory_space<vmem>> -> memref<512xf32, #tpu.memory_space<vmem>>
        %dma_start3A_52 = arith.constant 0 : i32
        %dma_start3A_53 = tpu.memref_slice %arg4[%add3A_51, %dma_start3A_52] : memref<65536x512xf32, #tpu.memory_space<hbm>> -> memref<1x512xf32, #tpu.memory_space<hbm>>
        %dma_start3A_54 = tpu.memref_squeeze %dma_start3A_53 : memref<1x512xf32, #tpu.memory_space<hbm>> -> memref<512xf32, #tpu.memory_space<hbm>>
        %dma_start3A_55 = arith.constant 0 : i32
        %dma_start3A_56 = tpu.memref_slice %arg4[%add3A_51, %dma_start3A_55] : memref<65536x512xf32, #tpu.memory_space<hbm>> -> memref<1x512xf32, #tpu.memory_space<hbm>>
        %dma_start3A_57 = tpu.memref_squeeze %dma_start3A_56 : memref<1x512xf32, #tpu.memory_space<hbm>> -> memref<512xf32, #tpu.memory_space<hbm>>
        %dma_start3A_58 = tpu.memref_slice %arg5[%multiple_of3A] : memref<130560xf32, #tpu.memory_space<vmem>> -> memref<512xf32, #tpu.memory_space<vmem>>
        tpu.enqueue_dma source(%dma_start3A_58 : memref<512xf32, #tpu.memory_space<vmem>>) target(%dma_start3A_57 : memref<512xf32, #tpu.memory_space<hbm>>) target_semaphore(%arg7 : memref<!tpu.dma_semaphore, #tpu.memory_space<semaphore_mem>>)
        %slice3A_59 = vector.extract_strided_slice %get3A_43 {offsets = [1], sizes = [1], strides = [1]} : vector<16xi32> to vector<1xi32>
        %squeeze3A_60 = vector.extract %slice3A_59[0] : i32 from vector<1xi32>
        %multiple_of3A_61 = tpu.assume_multiple %squeeze3A_60, 512 : i32
        %mul3A_62 = arith.constant 128 : i32
        %mul3A_63 = arith.muli %scan3A_23, %mul3A_62 : i32
        %add3A_64 = arith.addi %mul3A_2, %mul3A_63 : i32
        %mul3A_65 = arith.constant 16 : i32
        %mul3A_66 = arith.muli %scan3A_39, %mul3A_65 : i32
        %add3A_67 = arith.addi %add3A_64, %mul3A_66 : i32
        %add3A_68 = arith.constant 1 : i32
        %add3A_69 = arith.addi %add3A_67, %add3A_68 : i32
        %dma_start3A_70 = tpu.memref_slice %arg5[%multiple_of3A_61] : memref<130560xf32, #tpu.memory_space<vmem>> -> memref<512xf32, #tpu.memory_space<vmem>>
        %dma_start3A_71 = arith.constant 0 : i32
        %dma_start3A_72 = tpu.memref_slice %arg4[%add3A_69, %dma_start3A_71] : memref<65536x512xf32, #tpu.memory_space<hbm>> -> memref<1x512xf32, #tpu.memory_space<hbm>>
        %dma_start3A_73 = tpu.memref_squeeze %dma_start3A_72 : memref<1x512xf32, #tpu.memory_space<hbm>> -> memref<512xf32, #tpu.memory_space<hbm>>
        %dma_start3A_74 = arith.constant 0 : i32
        %dma_start3A_75 = tpu.memref_slice %arg4[%add3A_69, %dma_start3A_74] : memref<65536x512xf32, #tpu.memory_space<hbm>> -> memref<1x512xf32, #tpu.memory_space<hbm>>
        %dma_start3A_76 = tpu.memref_squeeze %dma_start3A_75 : memref<1x512xf32, #tpu.memory_space<hbm>> -> memref<512xf32, #tpu.memory_space<hbm>>
        %dma_start3A_77 = tpu.memref_slice %arg5[%multiple_of3A_61] : memref<130560xf32, #tpu.memory_space<vmem>> -> memref<512xf32, #tpu.memory_space<vmem>>
        tpu.enqueue_dma source(%dma_start3A_77 : memref<512xf32, #tpu.memory_space<vmem>>) target(%dma_start3A_76 : memref<512xf32, #tpu.memory_space<hbm>>) target_semaphore(%arg7 : memref<!tpu.dma_semaphore, #tpu.memory_space<semaphore_mem>>)
        %slice3A_78 = vector.extract_strided_slice %get3A_43 {offsets = [2], sizes = [1], strides = [1]} : vector<16xi32> to vector<1xi32>
        %squeeze3A_79 = vector.extract %slice3A_78[0] : i32 from vector<1xi32>
        %multiple_of3A_80 = tpu.assume_multiple %squeeze3A_79, 512 : i32
        %mul3A_81 = arith.constant 128 : i32
        %mul3A_82 = arith.muli %scan3A_23, %mul3A_81 : i32
        %add3A_83 = arith.addi %mul3A_2, %mul3A_82 : i32
        %mul3A_84 = arith.constant 16 : i32
        %mul3A_85 = arith.muli %scan3A_39, %mul3A_84 : i32
        %add3A_86 = arith.addi %add3A_83, %mul3A_85 : i32
        %add3A_87 = arith.constant 2 : i32
        %add3A_88 = arith.addi %add3A_86, %add3A_87 : i32
        %dma_start3A_89 = tpu.memref_slice %arg5[%multiple_of3A_80] : memref<130560xf32, #tpu.memory_space<vmem>> -> memref<512xf32, #tpu.memory_space<vmem>>
        %dma_start3A_90 = arith.constant 0 : i32
        %dma_start3A_91 = tpu.memref_slice %arg4[%add3A_88, %dma_start3A_90] : memref<65536x512xf32, #tpu.memory_space<hbm>> -> memref<1x512xf32, #tpu.memory_space<hbm>>
        %dma_start3A_92 = tpu.memref_squeeze %dma_start3A_91 : memref<1x512xf32, #tpu.memory_space<hbm>> -> memref<512xf32, #tpu.memory_space<hbm>>
        %dma_start3A_93 = arith.constant 0 : i32
        %dma_start3A_94 = tpu.memref_slice %arg4[%add3A_88, %dma_start3A_93] : memref<65536x512xf32, #tpu.memory_space<hbm>> -> memref<1x512xf32, #tpu.memory_space<hbm>>
        %dma_start3A_95 = tpu.memref_squeeze %dma_start3A_94 : memref<1x512xf32, #tpu.memory_space<hbm>> -> memref<512xf32, #tpu.memory_space<hbm>>
        %dma_start3A_96 = tpu.memref_slice %arg5[%multiple_of3A_80] : memref<130560xf32, #tpu.memory_space<vmem>> -> memref<512xf32, #tpu.memory_space<vmem>>
        tpu.enqueue_dma source(%dma_start3A_96 : memref<512xf32, #tpu.memory_space<vmem>>) target(%dma_start3A_95 : memref<512xf32, #tpu.memory_space<hbm>>) target_semaphore(%arg7 : memref<!tpu.dma_semaphore, #tpu.memory_space<semaphore_mem>>)
        %slice3A_97 = vector.extract_strided_slice %get3A_43 {offsets = [3], sizes = [1], strides = [1]} : vector<16xi32> to vector<1xi32>
        %squeeze3A_98 = vector.extract %slice3A_97[0] : i32 from vector<1xi32>
        %multiple_of3A_99 = tpu.assume_multiple %squeeze3A_98, 512 : i32
        %mul3A_100 = arith.constant 128 : i32
        %mul3A_101 = arith.muli %scan3A_23, %mul3A_100 : i32
        %add3A_102 = arith.addi %mul3A_2, %mul3A_101 : i32
        %mul3A_103 = arith.constant 16 : i32
        %mul3A_104 = arith.muli %scan3A_39, %mul3A_103 : i32
        %add3A_105 = arith.addi %add3A_102, %mul3A_104 : i32
        %add3A_106 = arith.constant 3 : i32
        %add3A_107 = arith.addi %add3A_105, %add3A_106 : i32
        %dma_start3A_108 = tpu.memref_slice %arg5[%multiple_of3A_99] : memref<130560xf32, #tpu.memory_space<vmem>> -> memref<512xf32, #tpu.memory_space<vmem>>
        %dma_start3A_109 = arith.constant 0 : i32
        %dma_start3A_110 = tpu.memref_slice %arg4[%add3A_107, %dma_start3A_109] : memref<65536x512xf32, #tpu.memory_space<hbm>> -> memref<1x512xf32, #tpu.memory_space<hbm>>
        %dma_start3A_111 = tpu.memref_squeeze %dma_start3A_110 : memref<1x512xf32, #tpu.memory_space<hbm>> -> memref<512xf32, #tpu.memory_space<hbm>>
        %dma_start3A_112 = arith.constant 0 : i32
        %dma_start3A_113 = tpu.memref_slice %arg4[%add3A_107, %dma_start3A_112] : memref<65536x512xf32, #tpu.memory_space<hbm>> -> memref<1x512xf32, #tpu.memory_space<hbm>>
        %dma_start3A_114 = tpu.memref_squeeze %dma_start3A_113 : memref<1x512xf32, #tpu.memory_space<hbm>> -> memref<512xf32, #tpu.memory_space<hbm>>
        %dma_start3A_115 = tpu.memref_slice %arg5[%multiple_of3A_99] : memref<130560xf32, #tpu.memory_space<vmem>> -> memref<512xf32, #tpu.memory_space<vmem>>
        tpu.enqueue_dma source(%dma_start3A_115 : memref<512xf32, #tpu.memory_space<vmem>>) target(%dma_start3A_114 : memref<512xf32, #tpu.memory_space<hbm>>) target_semaphore(%arg7 : memref<!tpu.dma_semaphore, #tpu.memory_space<semaphore_mem>>)
        %slice3A_116 = vector.extract_strided_slice %get3A_43 {offsets = [4], sizes = [1], strides = [1]} : vector<16xi32> to vector<1xi32>
        %squeeze3A_117 = vector.extract %slice3A_116[0] : i32 from vector<1xi32>
        %multiple_of3A_118 = tpu.assume_multiple %squeeze3A_117, 512 : i32
        %mul3A_119 = arith.constant 128 : i32
        %mul3A_120 = arith.muli %scan3A_23, %mul3A_119 : i32
        %add3A_121 = arith.addi %mul3A_2, %mul3A_120 : i32
        %mul3A_122 = arith.constant 16 : i32
        %mul3A_123 = arith.muli %scan3A_39, %mul3A_122 : i32
        %add3A_124 = arith.addi %add3A_121, %mul3A_123 : i32
        %add3A_125 = arith.constant 4 : i32
        %add3A_126 = arith.addi %add3A_124, %add3A_125 : i32
        %dma_start3A_127 = tpu.memref_slice %arg5[%multiple_of3A_118] : memref<130560xf32, #tpu.memory_space<vmem>> -> memref<512xf32, #tpu.memory_space<vmem>>
        %dma_start3A_128 = arith.constant 0 : i32
        %dma_start3A_129 = tpu.memref_slice %arg4[%add3A_126, %dma_start3A_128] : memref<65536x512xf32, #tpu.memory_space<hbm>> -> memref<1x512xf32, #tpu.memory_space<hbm>>
        %dma_start3A_130 = tpu.memref_squeeze %dma_start3A_129 : memref<1x512xf32, #tpu.memory_space<hbm>> -> memref<512xf32, #tpu.memory_space<hbm>>
        %dma_start3A_131 = arith.constant 0 : i32
        %dma_start3A_132 = tpu.memref_slice %arg4[%add3A_126, %dma_start3A_131] : memref<65536x512xf32, #tpu.memory_space<hbm>> -> memref<1x512xf32, #tpu.memory_space<hbm>>
        %dma_start3A_133 = tpu.memref_squeeze %dma_start3A_132 : memref<1x512xf32, #tpu.memory_space<hbm>> -> memref<512xf32, #tpu.memory_space<hbm>>
        %dma_start3A_134 = tpu.memref_slice %arg5[%multiple_of3A_118] : memref<130560xf32, #tpu.memory_space<vmem>> -> memref<512xf32, #tpu.memory_space<vmem>>
        tpu.enqueue_dma source(%dma_start3A_134 : memref<512xf32, #tpu.memory_space<vmem>>) target(%dma_start3A_133 : memref<512xf32, #tpu.memory_space<hbm>>) target_semaphore(%arg7 : memref<!tpu.dma_semaphore, #tpu.memory_space<semaphore_mem>>)
        %slice3A_135 = vector.extract_strided_slice %get3A_43 {offsets = [5], sizes = [1], strides = [1]} : vector<16xi32> to vector<1xi32>
        %squeeze3A_136 = vector.extract %slice3A_135[0] : i32 from vector<1xi32>
        %multiple_of3A_137 = tpu.assume_multiple %squeeze3A_136, 512 : i32
        %mul3A_138 = arith.constant 128 : i32
        %mul3A_139 = arith.muli %scan3A_23, %mul3A_138 : i32
        %add3A_140 = arith.addi %mul3A_2, %mul3A_139 : i32
        %mul3A_141 = arith.constant 16 : i32
        %mul3A_142 = arith.muli %scan3A_39, %mul3A_141 : i32
        %add3A_143 = arith.addi %add3A_140, %mul3A_142 : i32
        %add3A_144 = arith.constant 5 : i32
        %add3A_145 = arith.addi %add3A_143, %add3A_144 : i32
        %dma_start3A_146 = tpu.memref_slice %arg5[%multiple_of3A_137] : memref<130560xf32, #tpu.memory_space<vmem>> -> memref<512xf32, #tpu.memory_space<vmem>>
        %dma_start3A_147 = arith.constant 0 : i32
        %dma_start3A_148 = tpu.memref_slice %arg4[%add3A_145, %dma_start3A_147] : memref<65536x512xf32, #tpu.memory_space<hbm>> -> memref<1x512xf32, #tpu.memory_space<hbm>>
        %dma_start3A_149 = tpu.memref_squeeze %dma_start3A_148 : memref<1x512xf32, #tpu.memory_space<hbm>> -> memref<512xf32, #tpu.memory_space<hbm>>
        %dma_start3A_150 = arith.constant 0 : i32
        %dma_start3A_151 = tpu.memref_slice %arg4[%add3A_145, %dma_start3A_150] : memref<65536x512xf32, #tpu.memory_space<hbm>> -> memref<1x512xf32, #tpu.memory_space<hbm>>
        %dma_start3A_152 = tpu.memref_squeeze %dma_start3A_151 : memref<1x512xf32, #tpu.memory_space<hbm>> -> memref<512xf32, #tpu.memory_space<hbm>>
        %dma_start3A_153 = tpu.memref_slice %arg5[%multiple_of3A_137] : memref<130560xf32, #tpu.memory_space<vmem>> -> memref<512xf32, #tpu.memory_space<vmem>>
        tpu.enqueue_dma source(%dma_start3A_153 : memref<512xf32, #tpu.memory_space<vmem>>) target(%dma_start3A_152 : memref<512xf32, #tpu.memory_space<hbm>>) target_semaphore(%arg7 : memref<!tpu.dma_semaphore, #tpu.memory_space<semaphore_mem>>)
        %slice3A_154 = vector.extract_strided_slice %get3A_43 {offsets = [6], sizes = [1], strides = [1]} : vector<16xi32> to vector<1xi32>
        %squeeze3A_155 = vector.extract %slice3A_154[0] : i32 from vector<1xi32>
        %multiple_of3A_156 = tpu.assume_multiple %squeeze3A_155, 512 : i32
        %mul3A_157 = arith.constant 128 : i32
        %mul3A_158 = arith.muli %scan3A_23, %mul3A_157 : i32
        %add3A_159 = arith.addi %mul3A_2, %mul3A_158 : i32
        %mul3A_160 = arith.constant 16 : i32
        %mul3A_161 = arith.muli %scan3A_39, %mul3A_160 : i32
        %add3A_162 = arith.addi %add3A_159, %mul3A_161 : i32
        %add3A_163 = arith.constant 6 : i32
        %add3A_164 = arith.addi %add3A_162, %add3A_163 : i32
        %dma_start3A_165 = tpu.memref_slice %arg5[%multiple_of3A_156] : memref<130560xf32, #tpu.memory_space<vmem>> -> memref<512xf32, #tpu.memory_space<vmem>>
        %dma_start3A_166 = arith.constant 0 : i32
        %dma_start3A_167 = tpu.memref_slice %arg4[%add3A_164, %dma_start3A_166] : memref<65536x512xf32, #tpu.memory_space<hbm>> -> memref<1x512xf32, #tpu.memory_space<hbm>>
        %dma_start3A_168 = tpu.memref_squeeze %dma_start3A_167 : memref<1x512xf32, #tpu.memory_space<hbm>> -> memref<512xf32, #tpu.memory_space<hbm>>
        %dma_start3A_169 = arith.constant 0 : i32
        %dma_start3A_170 = tpu.memref_slice %arg4[%add3A_164, %dma_start3A_169] : memref<65536x512xf32, #tpu.memory_space<hbm>> -> memref<1x512xf32, #tpu.memory_space<hbm>>
        %dma_start3A_171 = tpu.memref_squeeze %dma_start3A_170 : memref<1x512xf32, #tpu.memory_space<hbm>> -> memref<512xf32, #tpu.memory_space<hbm>>
        %dma_start3A_172 = tpu.memref_slice %arg5[%multiple_of3A_156] : memref<130560xf32, #tpu.memory_space<vmem>> -> memref<512xf32, #tpu.memory_space<vmem>>
        tpu.enqueue_dma source(%dma_start3A_172 : memref<512xf32, #tpu.memory_space<vmem>>) target(%dma_start3A_171 : memref<512xf32, #tpu.memory_space<hbm>>) target_semaphore(%arg7 : memref<!tpu.dma_semaphore, #tpu.memory_space<semaphore_mem>>)
        %slice3A_173 = vector.extract_strided_slice %get3A_43 {offsets = [7], sizes = [1], strides = [1]} : vector<16xi32> to vector<1xi32>
        %squeeze3A_174 = vector.extract %slice3A_173[0] : i32 from vector<1xi32>
        %multiple_of3A_175 = tpu.assume_multiple %squeeze3A_174, 512 : i32
        %mul3A_176 = arith.constant 128 : i32
        %mul3A_177 = arith.muli %scan3A_23, %mul3A_176 : i32
        %add3A_178 = arith.addi %mul3A_2, %mul3A_177 : i32
        %mul3A_179 = arith.constant 16 : i32
        %mul3A_180 = arith.muli %scan3A_39, %mul3A_179 : i32
        %add3A_181 = arith.addi %add3A_178, %mul3A_180 : i32
        %add3A_182 = arith.constant 7 : i32
        %add3A_183 = arith.addi %add3A_181, %add3A_182 : i32
        %dma_start3A_184 = tpu.memref_slice %arg5[%multiple_of3A_175] : memref<130560xf32, #tpu.memory_space<vmem>> -> memref<512xf32, #tpu.memory_space<vmem>>
        %dma_start3A_185 = arith.constant 0 : i32
        %dma_start3A_186 = tpu.memref_slice %arg4[%add3A_183, %dma_start3A_185] : memref<65536x512xf32, #tpu.memory_space<hbm>> -> memref<1x512xf32, #tpu.memory_space<hbm>>
        %dma_start3A_187 = tpu.memref_squeeze %dma_start3A_186 : memref<1x512xf32, #tpu.memory_space<hbm>> -> memref<512xf32, #tpu.memory_space<hbm>>
        %dma_start3A_188 = arith.constant 0 : i32
        %dma_start3A_189 = tpu.memref_slice %arg4[%add3A_183, %dma_start3A_188] : memref<65536x512xf32, #tpu.memory_space<hbm>> -> memref<1x512xf32, #tpu.memory_space<hbm>>
        %dma_start3A_190 = tpu.memref_squeeze %dma_start3A_189 : memref<1x512xf32, #tpu.memory_space<hbm>> -> memref<512xf32, #tpu.memory_space<hbm>>
        %dma_start3A_191 = tpu.memref_slice %arg5[%multiple_of3A_175] : memref<130560xf32, #tpu.memory_space<vmem>> -> memref<512xf32, #tpu.memory_space<vmem>>
        tpu.enqueue_dma source(%dma_start3A_191 : memref<512xf32, #tpu.memory_space<vmem>>) target(%dma_start3A_190 : memref<512xf32, #tpu.memory_space<hbm>>) target_semaphore(%arg7 : memref<!tpu.dma_semaphore, #tpu.memory_space<semaphore_mem>>)
        %slice3A_192 = vector.extract_strided_slice %get3A_43 {offsets = [8], sizes = [1], strides = [1]} : vector<16xi32> to vector<1xi32>
        %squeeze3A_193 = vector.extract %slice3A_192[0] : i32 from vector<1xi32>
        %multiple_of3A_194 = tpu.assume_multiple %squeeze3A_193, 512 : i32
        %mul3A_195 = arith.constant 128 : i32
        %mul3A_196 = arith.muli %scan3A_23, %mul3A_195 : i32
        %add3A_197 = arith.addi %mul3A_2, %mul3A_196 : i32
        %mul3A_198 = arith.constant 16 : i32
        %mul3A_199 = arith.muli %scan3A_39, %mul3A_198 : i32
        %add3A_200 = arith.addi %add3A_197, %mul3A_199 : i32
        %add3A_201 = arith.constant 8 : i32
        %add3A_202 = arith.addi %add3A_200, %add3A_201 : i32
        %dma_start3A_203 = tpu.memref_slice %arg5[%multiple_of3A_194] : memref<130560xf32, #tpu.memory_space<vmem>> -> memref<512xf32, #tpu.memory_space<vmem>>
        %dma_start3A_204 = arith.constant 0 : i32
        %dma_start3A_205 = tpu.memref_slice %arg4[%add3A_202, %dma_start3A_204] : memref<65536x512xf32, #tpu.memory_space<hbm>> -> memref<1x512xf32, #tpu.memory_space<hbm>>
        %dma_start3A_206 = tpu.memref_squeeze %dma_start3A_205 : memref<1x512xf32, #tpu.memory_space<hbm>> -> memref<512xf32, #tpu.memory_space<hbm>>
        %dma_start3A_207 = arith.constant 0 : i32
        %dma_start3A_208 = tpu.memref_slice %arg4[%add3A_202, %dma_start3A_207] : memref<65536x512xf32, #tpu.memory_space<hbm>> -> memref<1x512xf32, #tpu.memory_space<hbm>>
        %dma_start3A_209 = tpu.memref_squeeze %dma_start3A_208 : memref<1x512xf32, #tpu.memory_space<hbm>> -> memref<512xf32, #tpu.memory_space<hbm>>
        %dma_start3A_210 = tpu.memref_slice %arg5[%multiple_of3A_194] : memref<130560xf32, #tpu.memory_space<vmem>> -> memref<512xf32, #tpu.memory_space<vmem>>
        tpu.enqueue_dma source(%dma_start3A_210 : memref<512xf32, #tpu.memory_space<vmem>>) target(%dma_start3A_209 : memref<512xf32, #tpu.memory_space<hbm>>) target_semaphore(%arg7 : memref<!tpu.dma_semaphore, #tpu.memory_space<semaphore_mem>>)
        %slice3A_211 = vector.extract_strided_slice %get3A_43 {offsets = [9], sizes = [1], strides = [1]} : vector<16xi32> to vector<1xi32>
        %squeeze3A_212 = vector.extract %slice3A_211[0] : i32 from vector<1xi32>
        %multiple_of3A_213 = tpu.assume_multiple %squeeze3A_212, 512 : i32
        %mul3A_214 = arith.constant 128 : i32
        %mul3A_215 = arith.muli %scan3A_23, %mul3A_214 : i32
        %add3A_216 = arith.addi %mul3A_2, %mul3A_215 : i32
        %mul3A_217 = arith.constant 16 : i32
        %mul3A_218 = arith.muli %scan3A_39, %mul3A_217 : i32
        %add3A_219 = arith.addi %add3A_216, %mul3A_218 : i32
        %add3A_220 = arith.constant 9 : i32
        %add3A_221 = arith.addi %add3A_219, %add3A_220 : i32
        %dma_start3A_222 = tpu.memref_slice %arg5[%multiple_of3A_213] : memref<130560xf32, #tpu.memory_space<vmem>> -> memref<512xf32, #tpu.memory_space<vmem>>
        %dma_start3A_223 = arith.constant 0 : i32
        %dma_start3A_224 = tpu.memref_slice %arg4[%add3A_221, %dma_start3A_223] : memref<65536x512xf32, #tpu.memory_space<hbm>> -> memref<1x512xf32, #tpu.memory_space<hbm>>
        %dma_start3A_225 = tpu.memref_squeeze %dma_start3A_224 : memref<1x512xf32, #tpu.memory_space<hbm>> -> memref<512xf32, #tpu.memory_space<hbm>>
        %dma_start3A_226 = arith.constant 0 : i32
        %dma_start3A_227 = tpu.memref_slice %arg4[%add3A_221, %dma_start3A_226] : memref<65536x512xf32, #tpu.memory_space<hbm>> -> memref<1x512xf32, #tpu.memory_space<hbm>>
        %dma_start3A_228 = tpu.memref_squeeze %dma_start3A_227 : memref<1x512xf32, #tpu.memory_space<hbm>> -> memref<512xf32, #tpu.memory_space<hbm>>
        %dma_start3A_229 = tpu.memref_slice %arg5[%multiple_of3A_213] : memref<130560xf32, #tpu.memory_space<vmem>> -> memref<512xf32, #tpu.memory_space<vmem>>
        tpu.enqueue_dma source(%dma_start3A_229 : memref<512xf32, #tpu.memory_space<vmem>>) target(%dma_start3A_228 : memref<512xf32, #tpu.memory_space<hbm>>) target_semaphore(%arg7 : memref<!tpu.dma_semaphore, #tpu.memory_space<semaphore_mem>>)
        %slice3A_230 = vector.extract_strided_slice %get3A_43 {offsets = [10], sizes = [1], strides = [1]} : vector<16xi32> to vector<1xi32>
        %squeeze3A_231 = vector.extract %slice3A_230[0] : i32 from vector<1xi32>
        %multiple_of3A_232 = tpu.assume_multiple %squeeze3A_231, 512 : i32
        %mul3A_233 = arith.constant 128 : i32
        %mul3A_234 = arith.muli %scan3A_23, %mul3A_233 : i32
        %add3A_235 = arith.addi %mul3A_2, %mul3A_234 : i32
        %mul3A_236 = arith.constant 16 : i32
        %mul3A_237 = arith.muli %scan3A_39, %mul3A_236 : i32
        %add3A_238 = arith.addi %add3A_235, %mul3A_237 : i32
        %add3A_239 = arith.constant 10 : i32
        %add3A_240 = arith.addi %add3A_238, %add3A_239 : i32
        %dma_start3A_241 = tpu.memref_slice %arg5[%multiple_of3A_232] : memref<130560xf32, #tpu.memory_space<vmem>> -> memref<512xf32, #tpu.memory_space<vmem>>
        %dma_start3A_242 = arith.constant 0 : i32
        %dma_start3A_243 = tpu.memref_slice %arg4[%add3A_240, %dma_start3A_242] : memref<65536x512xf32, #tpu.memory_space<hbm>> -> memref<1x512xf32, #tpu.memory_space<hbm>>
        %dma_start3A_244 = tpu.memref_squeeze %dma_start3A_243 : memref<1x512xf32, #tpu.memory_space<hbm>> -> memref<512xf32, #tpu.memory_space<hbm>>
        %dma_start3A_245 = arith.constant 0 : i32
        %dma_start3A_246 = tpu.memref_slice %arg4[%add3A_240, %dma_start3A_245] : memref<65536x512xf32, #tpu.memory_space<hbm>> -> memref<1x512xf32, #tpu.memory_space<hbm>>
        %dma_start3A_247 = tpu.memref_squeeze %dma_start3A_246 : memref<1x512xf32, #tpu.memory_space<hbm>> -> memref<512xf32, #tpu.memory_space<hbm>>
        %dma_start3A_248 = tpu.memref_slice %arg5[%multiple_of3A_232] : memref<130560xf32, #tpu.memory_space<vmem>> -> memref<512xf32, #tpu.memory_space<vmem>>
        tpu.enqueue_dma source(%dma_start3A_248 : memref<512xf32, #tpu.memory_space<vmem>>) target(%dma_start3A_247 : memref<512xf32, #tpu.memory_space<hbm>>) target_semaphore(%arg7 : memref<!tpu.dma_semaphore, #tpu.memory_space<semaphore_mem>>)
        %slice3A_249 = vector.extract_strided_slice %get3A_43 {offsets = [11], sizes = [1], strides = [1]} : vector<16xi32> to vector<1xi32>
        %squeeze3A_250 = vector.extract %slice3A_249[0] : i32 from vector<1xi32>
        %multiple_of3A_251 = tpu.assume_multiple %squeeze3A_250, 512 : i32
        %mul3A_252 = arith.constant 128 : i32
        %mul3A_253 = arith.muli %scan3A_23, %mul3A_252 : i32
        %add3A_254 = arith.addi %mul3A_2, %mul3A_253 : i32
        %mul3A_255 = arith.constant 16 : i32
        %mul3A_256 = arith.muli %scan3A_39, %mul3A_255 : i32
        %add3A_257 = arith.addi %add3A_254, %mul3A_256 : i32
        %add3A_258 = arith.constant 11 : i32
        %add3A_259 = arith.addi %add3A_257, %add3A_258 : i32
        %dma_start3A_260 = tpu.memref_slice %arg5[%multiple_of3A_251] : memref<130560xf32, #tpu.memory_space<vmem>> -> memref<512xf32, #tpu.memory_space<vmem>>
        %dma_start3A_261 = arith.constant 0 : i32
        %dma_start3A_262 = tpu.memref_slice %arg4[%add3A_259, %dma_start3A_261] : memref<65536x512xf32, #tpu.memory_space<hbm>> -> memref<1x512xf32, #tpu.memory_space<hbm>>
        %dma_start3A_263 = tpu.memref_squeeze %dma_start3A_262 : memref<1x512xf32, #tpu.memory_space<hbm>> -> memref<512xf32, #tpu.memory_space<hbm>>
        %dma_start3A_264 = arith.constant 0 : i32
        %dma_start3A_265 = tpu.memref_slice %arg4[%add3A_259, %dma_start3A_264] : memref<65536x512xf32, #tpu.memory_space<hbm>> -> memref<1x512xf32, #tpu.memory_space<hbm>>
        %dma_start3A_266 = tpu.memref_squeeze %dma_start3A_265 : memref<1x512xf32, #tpu.memory_space<hbm>> -> memref<512xf32, #tpu.memory_space<hbm>>
        %dma_start3A_267 = tpu.memref_slice %arg5[%multiple_of3A_251] : memref<130560xf32, #tpu.memory_space<vmem>> -> memref<512xf32, #tpu.memory_space<vmem>>
        tpu.enqueue_dma source(%dma_start3A_267 : memref<512xf32, #tpu.memory_space<vmem>>) target(%dma_start3A_266 : memref<512xf32, #tpu.memory_space<hbm>>) target_semaphore(%arg7 : memref<!tpu.dma_semaphore, #tpu.memory_space<semaphore_mem>>)
        %slice3A_268 = vector.extract_strided_slice %get3A_43 {offsets = [12], sizes = [1], strides = [1]} : vector<16xi32> to vector<1xi32>
        %squeeze3A_269 = vector.extract %slice3A_268[0] : i32 from vector<1xi32>
        %multiple_of3A_270 = tpu.assume_multiple %squeeze3A_269, 512 : i32
        %mul3A_271 = arith.constant 128 : i32
        %mul3A_272 = arith.muli %scan3A_23, %mul3A_271 : i32
        %add3A_273 = arith.addi %mul3A_2, %mul3A_272 : i32
        %mul3A_274 = arith.constant 16 : i32
        %mul3A_275 = arith.muli %scan3A_39, %mul3A_274 : i32
        %add3A_276 = arith.addi %add3A_273, %mul3A_275 : i32
        %add3A_277 = arith.constant 12 : i32
        %add3A_278 = arith.addi %add3A_276, %add3A_277 : i32
        %dma_start3A_279 = tpu.memref_slice %arg5[%multiple_of3A_270] : memref<130560xf32, #tpu.memory_space<vmem>> -> memref<512xf32, #tpu.memory_space<vmem>>
        %dma_start3A_280 = arith.constant 0 : i32
        %dma_start3A_281 = tpu.memref_slice %arg4[%add3A_278, %dma_start3A_280] : memref<65536x512xf32, #tpu.memory_space<hbm>> -> memref<1x512xf32, #tpu.memory_space<hbm>>
        %dma_start3A_282 = tpu.memref_squeeze %dma_start3A_281 : memref<1x512xf32, #tpu.memory_space<hbm>> -> memref<512xf32, #tpu.memory_space<hbm>>
        %dma_start3A_283 = arith.constant 0 : i32
        %dma_start3A_284 = tpu.memref_slice %arg4[%add3A_278, %dma_start3A_283] : memref<65536x512xf32, #tpu.memory_space<hbm>> -> memref<1x512xf32, #tpu.memory_space<hbm>>
        %dma_start3A_285 = tpu.memref_squeeze %dma_start3A_284 : memref<1x512xf32, #tpu.memory_space<hbm>> -> memref<512xf32, #tpu.memory_space<hbm>>
        %dma_start3A_286 = tpu.memref_slice %arg5[%multiple_of3A_270] : memref<130560xf32, #tpu.memory_space<vmem>> -> memref<512xf32, #tpu.memory_space<vmem>>
        tpu.enqueue_dma source(%dma_start3A_286 : memref<512xf32, #tpu.memory_space<vmem>>) target(%dma_start3A_285 : memref<512xf32, #tpu.memory_space<hbm>>) target_semaphore(%arg7 : memref<!tpu.dma_semaphore, #tpu.memory_space<semaphore_mem>>)
        %slice3A_287 = vector.extract_strided_slice %get3A_43 {offsets = [13], sizes = [1], strides = [1]} : vector<16xi32> to vector<1xi32>
        %squeeze3A_288 = vector.extract %slice3A_287[0] : i32 from vector<1xi32>
        %multiple_of3A_289 = tpu.assume_multiple %squeeze3A_288, 512 : i32
        %mul3A_290 = arith.constant 128 : i32
        %mul3A_291 = arith.muli %scan3A_23, %mul3A_290 : i32
        %add3A_292 = arith.addi %mul3A_2, %mul3A_291 : i32
        %mul3A_293 = arith.constant 16 : i32
        %mul3A_294 = arith.muli %scan3A_39, %mul3A_293 : i32
        %add3A_295 = arith.addi %add3A_292, %mul3A_294 : i32
        %add3A_296 = arith.constant 13 : i32
        %add3A_297 = arith.addi %add3A_295, %add3A_296 : i32
        %dma_start3A_298 = tpu.memref_slice %arg5[%multiple_of3A_289] : memref<130560xf32, #tpu.memory_space<vmem>> -> memref<512xf32, #tpu.memory_space<vmem>>
        %dma_start3A_299 = arith.constant 0 : i32
        %dma_start3A_300 = tpu.memref_slice %arg4[%add3A_297, %dma_start3A_299] : memref<65536x512xf32, #tpu.memory_space<hbm>> -> memref<1x512xf32, #tpu.memory_space<hbm>>
        %dma_start3A_301 = tpu.memref_squeeze %dma_start3A_300 : memref<1x512xf32, #tpu.memory_space<hbm>> -> memref<512xf32, #tpu.memory_space<hbm>>
        %dma_start3A_302 = arith.constant 0 : i32
        %dma_start3A_303 = tpu.memref_slice %arg4[%add3A_297, %dma_start3A_302] : memref<65536x512xf32, #tpu.memory_space<hbm>> -> memref<1x512xf32, #tpu.memory_space<hbm>>
        %dma_start3A_304 = tpu.memref_squeeze %dma_start3A_303 : memref<1x512xf32, #tpu.memory_space<hbm>> -> memref<512xf32, #tpu.memory_space<hbm>>
        %dma_start3A_305 = tpu.memref_slice %arg5[%multiple_of3A_289] : memref<130560xf32, #tpu.memory_space<vmem>> -> memref<512xf32, #tpu.memory_space<vmem>>
        tpu.enqueue_dma source(%dma_start3A_305 : memref<512xf32, #tpu.memory_space<vmem>>) target(%dma_start3A_304 : memref<512xf32, #tpu.memory_space<hbm>>) target_semaphore(%arg7 : memref<!tpu.dma_semaphore, #tpu.memory_space<semaphore_mem>>)
        %slice3A_306 = vector.extract_strided_slice %get3A_43 {offsets = [14], sizes = [1], strides = [1]} : vector<16xi32> to vector<1xi32>
        %squeeze3A_307 = vector.extract %slice3A_306[0] : i32 from vector<1xi32>
        %multiple_of3A_308 = tpu.assume_multiple %squeeze3A_307, 512 : i32
        %mul3A_309 = arith.constant 128 : i32
        %mul3A_310 = arith.muli %scan3A_23, %mul3A_309 : i32
        %add3A_311 = arith.addi %mul3A_2, %mul3A_310 : i32
        %mul3A_312 = arith.constant 16 : i32
        %mul3A_313 = arith.muli %scan3A_39, %mul3A_312 : i32
        %add3A_314 = arith.addi %add3A_311, %mul3A_313 : i32
        %add3A_315 = arith.constant 14 : i32
        %add3A_316 = arith.addi %add3A_314, %add3A_315 : i32
        %dma_start3A_317 = tpu.memref_slice %arg5[%multiple_of3A_308] : memref<130560xf32, #tpu.memory_space<vmem>> -> memref<512xf32, #tpu.memory_space<vmem>>
        %dma_start3A_318 = arith.constant 0 : i32
        %dma_start3A_319 = tpu.memref_slice %arg4[%add3A_316, %dma_start3A_318] : memref<65536x512xf32, #tpu.memory_space<hbm>> -> memref<1x512xf32, #tpu.memory_space<hbm>>
        %dma_start3A_320 = tpu.memref_squeeze %dma_start3A_319 : memref<1x512xf32, #tpu.memory_space<hbm>> -> memref<512xf32, #tpu.memory_space<hbm>>
        %dma_start3A_321 = arith.constant 0 : i32
        %dma_start3A_322 = tpu.memref_slice %arg4[%add3A_316, %dma_start3A_321] : memref<65536x512xf32, #tpu.memory_space<hbm>> -> memref<1x512xf32, #tpu.memory_space<hbm>>
        %dma_start3A_323 = tpu.memref_squeeze %dma_start3A_322 : memref<1x512xf32, #tpu.memory_space<hbm>> -> memref<512xf32, #tpu.memory_space<hbm>>
        %dma_start3A_324 = tpu.memref_slice %arg5[%multiple_of3A_308] : memref<130560xf32, #tpu.memory_space<vmem>> -> memref<512xf32, #tpu.memory_space<vmem>>
        tpu.enqueue_dma source(%dma_start3A_324 : memref<512xf32, #tpu.memory_space<vmem>>) target(%dma_start3A_323 : memref<512xf32, #tpu.memory_space<hbm>>) target_semaphore(%arg7 : memref<!tpu.dma_semaphore, #tpu.memory_space<semaphore_mem>>)
        %slice3A_325 = vector.extract_strided_slice %get3A_43 {offsets = [15], sizes = [1], strides = [1]} : vector<16xi32> to vector<1xi32>
        %squeeze3A_326 = vector.extract %slice3A_325[0] : i32 from vector<1xi32>
        %multiple_of3A_327 = tpu.assume_multiple %squeeze3A_326, 512 : i32
        %mul3A_328 = arith.constant 128 : i32
        %mul3A_329 = arith.muli %scan3A_23, %mul3A_328 : i32
        %add3A_330 = arith.addi %mul3A_2, %mul3A_329 : i32
        %mul3A_331 = arith.constant 16 : i32
        %mul3A_332 = arith.muli %scan3A_39, %mul3A_331 : i32
        %add3A_333 = arith.addi %add3A_330, %mul3A_332 : i32
        %add3A_334 = arith.constant 15 : i32
        %add3A_335 = arith.addi %add3A_333, %add3A_334 : i32
        %dma_start3A_336 = tpu.memref_slice %arg5[%multiple_of3A_327] : memref<130560xf32, #tpu.memory_space<vmem>> -> memref<512xf32, #tpu.memory_space<vmem>>
        %dma_start3A_337 = arith.constant 0 : i32
        %dma_start3A_338 = tpu.memref_slice %arg4[%add3A_335, %dma_start3A_337] : memref<65536x512xf32, #tpu.memory_space<hbm>> -> memref<1x512xf32, #tpu.memory_space<hbm>>
        %dma_start3A_339 = tpu.memref_squeeze %dma_start3A_338 : memref<1x512xf32, #tpu.memory_space<hbm>> -> memref<512xf32, #tpu.memory_space<hbm>>
        %dma_start3A_340 = arith.constant 0 : i32
        %dma_start3A_341 = tpu.memref_slice %arg4[%add3A_335, %dma_start3A_340] : memref<65536x512xf32, #tpu.memory_space<hbm>> -> memref<1x512xf32, #tpu.memory_space<hbm>>
        %dma_start3A_342 = tpu.memref_squeeze %dma_start3A_341 : memref<1x512xf32, #tpu.memory_space<hbm>> -> memref<512xf32, #tpu.memory_space<hbm>>
        %dma_start3A_343 = tpu.memref_slice %arg5[%multiple_of3A_327] : memref<130560xf32, #tpu.memory_space<vmem>> -> memref<512xf32, #tpu.memory_space<vmem>>
        tpu.enqueue_dma source(%dma_start3A_343 : memref<512xf32, #tpu.memory_space<vmem>>) target(%dma_start3A_342 : memref<512xf32, #tpu.memory_space<hbm>>) target_semaphore(%arg7 : memref<!tpu.dma_semaphore, #tpu.memory_space<semaphore_mem>>)
      }
      %scan3A_32 = arith.constant 8 : i32
      %dma_wait3A_33 = arith.constant 0 : i32
      %dma_wait3A_34 = arith.constant 0 : i32
      %dma_wait3A_35 = tpu.memref_slice %arg4[%dma_wait3A_33, %dma_wait3A_34] : memref<65536x512xf32, #tpu.memory_space<hbm>> -> memref<128x512xf32, #tpu.memory_space<hbm>>
      %dma_wait3A_36 = arith.constant 0 : i32
      %dma_wait3A_37 = arith.constant 0 : i32
      %dma_wait3A_38 = tpu.memref_slice %arg4[%dma_wait3A_36, %dma_wait3A_37] : memref<65536x512xf32, #tpu.memory_space<hbm>> -> memref<128x512xf32, #tpu.memory_space<hbm>>
      tpu.wait_dma2 semaphore(%arg7 : memref<!tpu.dma_semaphore, #tpu.memory_space<semaphore_mem>>) src(%dma_wait3A_38 : memref<128x512xf32, #tpu.memory_space<hbm>>) dst(%dma_wait3A_35 : memref<128x512xf32, #tpu.memory_space<hbm>>)
    }
    %scan3A_17 = arith.constant 15 : i32
    %dma_wait3A = arith.constant 0 : i32
    %dma_wait3A_18 = arith.constant 0 : i32
    %dma_wait3A_19 = tpu.memref_slice %arg4[%dma_wait3A, %dma_wait3A_18] : memref<65536x512xf32, #tpu.memory_space<hbm>> -> memref<128x512xf32, #tpu.memory_space<hbm>>
    %dma_wait3A_20 = arith.constant 0 : i32
    %dma_wait3A_21 = arith.constant 0 : i32
    %dma_wait3A_22 = tpu.memref_slice %arg4[%dma_wait3A_20, %dma_wait3A_21] : memref<65536x512xf32, #tpu.memory_space<hbm>> -> memref<128x512xf32, #tpu.memory_space<hbm>>
    tpu.wait_dma2 semaphore(%arg7 : memref<!tpu.dma_semaphore, #tpu.memory_space<semaphore_mem>>) src(%dma_wait3A_22 : memref<128x512xf32, #tpu.memory_space<hbm>>) dst(%dma_wait3A_19 : memref<128x512xf32, #tpu.memory_space<hbm>>)
    return
  }
}

module attributes {stable_mosaic.version = 14 : i64} {
  func.func @_prep_body(%arg0: memref<512x128xf32, #tpu.memory_space<vmem>>, %arg1: memref<256x768xf32, #tpu.memory_space<vmem>>, %arg2: memref<768x512xf32, #tpu.memory_space<vmem>>, %arg3: memref<1x512xf32, #tpu.memory_space<vmem>>, %arg4: memref<512x512xf32, #tpu.memory_space<vmem>>, %arg5: memref<1x512xf32, #tpu.memory_space<vmem>>, %arg6: memref<512x128xi32, #tpu.memory_space<vmem>>, %arg7: memref<256x512xf32, #tpu.memory_space<vmem>>) attributes {dimension_semantics = [], scalar_prefetch = 0 : i64, scratch_operands = 0 : i64, tpu.core_type = #tpu.core_type<tc>} {
    %get3A = arith.constant 0 : index
    %get3A_0 = arith.constant 0 : index
    %get3A_1 = vector.load %arg0[%get3A, %get3A_0] : memref<512x128xf32, #tpu.memory_space<vmem>>, vector<512x128xf32>
    %div3A = arith.constant 7.000000e+02 : f32
    %div3A_2 = vector.broadcast %div3A : f32 to vector<512x128xf32>
    %div3A_3 = arith.divf %get3A_1, %div3A_2 : vector<512x128xf32>
    %add3A = arith.constant 1.000000e+00 : f32
    %add3A_4 = vector.broadcast %add3A : f32 to vector<512x128xf32>
    %add3A_5 = arith.addf %add3A_4, %div3A_3 : vector<512x128xf32>
    %log3A = math.log %add3A_5 : vector<512x128xf32>
    %mul3A = arith.constant 1.127000e+03 : f32
    %mul3A_6 = vector.broadcast %mul3A : f32 to vector<512x128xf32>
    %mul3A_7 = arith.mulf %mul3A_6, %log3A : vector<512x128xf32>
    %gt3A = arith.constant 0.000000e+00 : f32
    %gt3A_8 = vector.broadcast %gt3A : f32 to vector<512x128xf32>
    %gt3A_9 = arith.cmpf ogt, %mul3A_7, %gt3A_8 : vector<512x128xf32>
    %sub3A = arith.constant 77.7549667 : f32
    %sub3A_10 = vector.broadcast %sub3A : f32 to vector<512x128xf32>
    %sub3A_11 = arith.subf %mul3A_7, %sub3A_10 : vector<512x128xf32>
    %mul3A_12 = arith.constant 0.257435918 : f32
    %mul3A_13 = vector.broadcast %mul3A_12 : f32 to vector<512x128xf32>
    %mul3A_14 = arith.mulf %sub3A_11, %mul3A_13 : vector<512x128xf32>
    %add3A_15 = arith.constant 1.000000e+00 : f32
    %add3A_16 = vector.broadcast %add3A_15 : f32 to vector<512x128xf32>
    %add3A_17 = arith.addf %mul3A_14, %add3A_16 : vector<512x128xf32>
    %select_n3A = arith.select %gt3A_9, %add3A_17, %mul3A_7 : vector<512x128xi1>, vector<512x128xf32>
    %le3A = arith.constant 1.000000e+00 : f32
    %le3A_18 = vector.broadcast %le3A : f32 to vector<512x128xf32>
    %le3A_19 = arith.cmpf ole, %select_n3A, %le3A_18 : vector<512x128xf32>
    %jit3A = arith.constant 1.000000e+00 : f32
    %broadcast_in_dim3A = vector.broadcast %jit3A : f32 to vector<512x128xf32>
    %select_n3A_20 = arith.select %le3A_19, %broadcast_in_dim3A, %select_n3A : vector<512x128xi1>, vector<512x128xf32>
    %gt3A_21 = arith.constant 2.550000e+02 : f32
    %gt3A_22 = vector.broadcast %gt3A_21 : f32 to vector<512x128xf32>
    %gt3A_23 = arith.cmpf ogt, %select_n3A_20, %gt3A_22 : vector<512x128xf32>
    %jit3A_24 = arith.constant 2.550000e+02 : f32
    %broadcast_in_dim3A_25 = vector.broadcast %jit3A_24 : f32 to vector<512x128xf32>
    %select_n3A_26 = arith.select %gt3A_23, %broadcast_in_dim3A_25, %select_n3A_20 : vector<512x128xi1>, vector<512x128xf32>
    %add3A_27 = arith.constant 5.000000e-01 : f32
    %add3A_28 = vector.broadcast %add3A_27 : f32 to vector<512x128xf32>
    %add3A_29 = arith.addf %select_n3A_26, %add3A_28 : vector<512x128xf32>
    %convert_element_type3A = arith.fptosi %add3A_29 : vector<512x128xf32> to vector<512x128xi32>
    %sub3A_30 = arith.constant 1 : i32
    %sub3A_31 = vector.broadcast %sub3A_30 : i32 to vector<512x128xi32>
    %sub3A_32 = arith.subi %convert_element_type3A, %sub3A_31 : vector<512x128xi32>
    %mul3A_33 = arith.constant 512 : i32
    %mul3A_34 = vector.broadcast %mul3A_33 : i32 to vector<512x128xi32>
    %mul3A_35 = arith.muli %sub3A_32, %mul3A_34 : vector<512x128xi32>
    %swap3A = arith.constant 0 : index
    %swap3A_36 = arith.constant 0 : index
    %swap3A_37 = vector.load %arg6[%swap3A, %swap3A_36] : memref<512x128xi32, #tpu.memory_space<vmem>>, vector<512x128xi32>
    tpu.vector_store %arg6[%swap3A, %swap3A_36], %mul3A_35 {strides = array<i32>} : memref<512x128xi32, #tpu.memory_space<vmem>>, vector<512x128xi32>,
    %get3A_38 = arith.constant 0 : index
    %get3A_39 = arith.constant 0 : index
    %get3A_40 = vector.load %arg1[%get3A_38, %get3A_39] : memref<256x768xf32, #tpu.memory_space<vmem>>, vector<256x768xf32>
    %get3A_41 = arith.constant 0 : index
    %get3A_42 = arith.constant 0 : index
    %get3A_43 = vector.load %arg2[%get3A_41, %get3A_42] : memref<768x512xf32, #tpu.memory_space<vmem>>, vector<768x512xf32>
    %dot_general3A = arith.constant dense<0.000000e+00> : vector<256x512xf32>
    %dot_general3A_44 = tpu.matmul %get3A_40, %get3A_43, %dot_general3A {dimension_numbers = #tpu.dot_dimension_numbers<[1], [0], [0], [1], [0, 0, 1, 1], [], []>, transpose_lhs_hint = false} : vector<256x768xf32>, vector<768x512xf32>, vector<256x512xf32> -> vector<256x512xf32>
    %get3A_45 = arith.constant 0 : index
    %get3A_46 = arith.constant 0 : index
    %get3A_47 = vector.load %arg3[%get3A_45, %get3A_46] : memref<1x512xf32, #tpu.memory_space<vmem>>, vector<1x512xf32>
    %add3A_48 = vector.broadcast %get3A_47 : vector<1x512xf32> to vector<256x512xf32>
    %add3A_49 = arith.addf %dot_general3A_44, %add3A_48 : vector<256x512xf32>
    %mul3A_50 = arith.constant 5.000000e-01 : f32
    %mul3A_51 = vector.broadcast %mul3A_50 : f32 to vector<256x512xf32>
    %mul3A_52 = arith.mulf %add3A_49, %mul3A_51 : vector<256x512xf32>
    %mul3A_53 = arith.constant 0.707106769 : f32
    %mul3A_54 = vector.broadcast %mul3A_53 : f32 to vector<256x512xf32>
    %mul3A_55 = arith.mulf %add3A_49, %mul3A_54 : vector<256x512xf32>
    %erf3A = math.erf %mul3A_55 : vector<256x512xf32>
    %add3A_56 = arith.constant 1.000000e+00 : f32
    %add3A_57 = vector.broadcast %add3A_56 : f32 to vector<256x512xf32>
    %add3A_58 = arith.addf %add3A_57, %erf3A : vector<256x512xf32>
    %mul3A_59 = arith.mulf %mul3A_52, %add3A_58 : vector<256x512xf32>
    %get3A_60 = arith.constant 0 : index
    %get3A_61 = arith.constant 0 : index
    %get3A_62 = vector.load %arg4[%get3A_60, %get3A_61] : memref<512x512xf32, #tpu.memory_space<vmem>>, vector<512x512xf32>
    %dot_general3A_63 = arith.constant dense<0.000000e+00> : vector<256x512xf32>
    %dot_general3A_64 = tpu.matmul %mul3A_59, %get3A_62, %dot_general3A_63 {dimension_numbers = #tpu.dot_dimension_numbers<[1], [0], [0], [1], [0, 0, 1, 1], [], []>, transpose_lhs_hint = false} : vector<256x512xf32>, vector<512x512xf32>, vector<256x512xf32> -> vector<256x512xf32>
    %get3A_65 = arith.constant 0 : index
    %get3A_66 = arith.constant 0 : index
    %get3A_67 = vector.load %arg5[%get3A_65, %get3A_66] : memref<1x512xf32, #tpu.memory_space<vmem>>, vector<1x512xf32>
    %add3A_68 = vector.broadcast %get3A_67 : vector<1x512xf32> to vector<256x512xf32>
    %add3A_69 = arith.addf %dot_general3A_64, %add3A_68 : vector<256x512xf32>
    %swap3A_70 = arith.constant 0 : index
    %swap3A_71 = arith.constant 0 : index
    %swap3A_72 = vector.load %arg7[%swap3A_70, %swap3A_71] : memref<256x512xf32, #tpu.memory_space<vmem>>, vector<256x512xf32>
    tpu.vector_store %arg7[%swap3A_70, %swap3A_71], %add3A_69 {strides = array<i32>} : memref<256x512xf32, #tpu.memory_space<vmem>>, vector<256x512xf32>,
    return
  }
}

</mosaic_0001>

<sc_bundles>
// kernel: kernel.4.cloned.1.call-start
scs
__scs_entry_jumppad:
0x0: {  	(pc) =	sbr.rel $0x88, $3  }
0x1: {  	(tag) =	ssettag $0x0;
	lr =	simm.s32 $0x1  }
0x2: {  	[smem:$0x3F9B] =	sst lr;
	_ =	strace $0xD0000000  }
0x3: {  	_ = 	snop  }
0x4: {  	_ = 	snop  }
0x5: {  	_ = 	snop  }
0x6: {  	_ = 	snop  }
0x7: {  	_ = 	snop  }
__scs_overlays_trampoline_lowered:
0x8: {  	[smem:$0x3FAA] =	sst s0  }
0x9: {  	[smem:$0x3FAB] =	sst s1  }
0xa: {  	[smem:$0x3FAC] =	sst s2  }
0xb: {  	[smem:$0x3FAD] =	sst s3  }
0xc: {  	[smem:$0x3FAE] =	sst s4  }
0xd: {  	[smem:$0x3FAF] =	sst s5  }
0xe: {  	[smem:$0x3FB0] =	sst s6  }
0xf: {  	[smem:$0x3FB1] =	sst s7  }
0x10: {  	[smem:$0x3FB2] =	sst s8  }
0x11: {  	[smem:$0x3FB3] =	sst s9;
	s0 =	simm.s32 @!p0 $0x0  }
0x12: {  	s1 =	sld [smem:$0x3F99];
	s0 =	simm.s32 @p0 $0x1  }
0x13: {  	[smem:$0x3FB4] =	sst s0;
	s0 =	simm.s32 @!p1 $0x0  }
0x14: {  	s2 =	sld [smem:$0x3F98];
	s0 =	simm.s32 @p1 $0x1  }
0x15: {  	[smem:$0x3FB5] =	sst s0;
	s0 =	simm.s32 @!p2 $0x0  }
0x16: {  	s3 =	sld [smem:$0x3FDB];
	s0 =	simm.s32 @p2 $0x1  }
0x17: {  	s4 =	simm.s32 $0x1BF5;
	[smem:$0x3FB7] =	sst s0  }
0x18: {  	s0 =	sld [smem:$0x3F9A];
	_ =	swait.ge [sflag:s4], $0x0  }
0x19: {  	s7 =	sld [smem:$0x3F9B]  }
0x1a: {  	s8 =	sadd.s32 $0xFFFFE003, lr  }
0x1b: {  	s9 =	sadd.s32 $0xFFFFFEF7, lr;
	s5 =	simm.s32 $0xFFFFFFFF;
	p2 =	slt.u32 s8, $0xFFFFF086  }
0x1c: {  	p1 =	slt.u32 s9, $0xF7A;
	s5 =	simm.s32 @!p2 $0x0  }
0x1d: {  	s5 =	simm.s32 @p1 $0x1;
	p0 =	seq.s32 s7, s2  }
0x1e: {  	s7 =	smul.u32 @!p0 $0xF7A, s2;
	p2 =	seq.s32 @!p0 s5, $0x0  }
0x1f: {  	s9 =	smul.u32 $0xF7A, s1;
	s8 =	simm.s32 @!p0 $0x1BF5;
	p2 =	por !p2, p0  }
0x20: {  	[sflag:s8] =	ssyncset.s32 @!p0 $0xFFFFF086;
	s6 =	sadd.s32 @!p0 s3, s7;
	s7 =	simm.s32 @!p0 $0x108  }
0x21: {  	s3 =	sadd.s32 s3, s9;
	s6 =	sadd.s32 @!p0 $0x88, s6;
	s7 =	simm.s32 @p2 $0x1082  }
0x22: {  	[simem:s7], [sflag:s8] =	dma.local @!p0 [hbm:s6], $0xF7A  }
0x23: {  	s9 =	sor.u32 $0xD0000000, s2;
	s6 =	simm.s32 $0x108;
	_ =	swait.ge @!p0 [sflag:s8], $0x0  }
0x24: {  	s3 =	sadd.s32 $0x88, s3;
	s6 =	simm.s32 @!p1 $0x1082;
	[sflag:s4] =	ssyncset.s32 $0xFFFFF086  }
0x25: {  	[simem:s6], [sflag:s4] =	dma.local [hbm:s3], $0xF7A  }
0x26: {  	[smem:$0x3F9B] =	sst s1;
	(tag) =	ssettag s2;
	_ =	strace s9  }
0x27: {  	s1 =	sld [smem:$0x3FAB]  }
0x28: {  	s2 =	sld [smem:$0x3FAC]  }
0x29: {  	s4 =	sld [smem:$0x3FAE]  }
0x2a: {  	p0 =	seq.s32 s5, $0x0;
	s5 =	sld [smem:$0x3FAF]  }
0x2b: {  	s6 =	sld [smem:$0x3FB0]  }
0x2c: {  	s7 =	sld [smem:$0x3FB1]  }
0x2d: {  	s3 =	simm.s32 $0x108;
	s8 =	sld [smem:$0x3FB2]  }
0x2e: {  	s3 =	simm.s32 @!p0 $0x1082;
	s9 =	sld [smem:$0x3FB3]  }
0x2f: {  	lr =	sadd.s32 s0, s3;
	s0 =	sld [smem:$0x3FAA]  }
0x30: {  	s3 =	sld [smem:$0x3FAD]  }
0x31: {  	[smem:$0x3FB6] =	sst s10  }
0x32: {  	s10 =	sld [smem:$0x3FB4];
	_ =	sdelay $0x3  }
0x33: {  	p0 =	seq.s32 s10, $0x1;
	s10 =	sld [smem:$0x3FB6];
	_ =	sdelay $0x3  }
0x34: {  	[smem:$0x3FB6] =	sst s10  }
0x35: {  	s10 =	sld [smem:$0x3FB5];
	_ =	sdelay $0x3  }
0x36: {  	p1 =	seq.s32 s10, $0x1;
	s10 =	sld [smem:$0x3FB6];
	_ =	sdelay $0x3  }
0x37: {  	[smem:$0x3FB6] =	sst s10  }
0x38: {  	s10 =	sld [smem:$0x3FB7]  }
0x39: {  	_ = 	snop;
	(pc) =	sbr.ind lr, $3  }
0x3a: {  	_ = 	snop  }
0x3b: {  	_ = 	snop  }
0x3c: {  	p2 =	seq.s32 s10, $0x1;
	s10 =	sld [smem:$0x3FB6]  }
0x3d: {  	_ =	shalt  }
0x3e: {  	_ =	shalt  }
0x3f: {  	_ =	shalt  }
0x40: {  	_ =	shalt  }
0x41: {  	_ =	shalt  }
0x42: {  	_ =	shalt  }
0x43: {  	_ =	shalt  }
0x44: {  	_ =	shalt  }
0x45: {  	_ =	shalt  }
0x46: {  	_ =	shalt  }
0x47: {  	_ =	shalt  }
0x48: {  	_ =	shalt  }
0x49: {  	_ =	shalt  }
0x4a: {  	_ =	shalt  }
0x4b: {  	_ =	shalt  }
0x4c: {  	_ =	shalt  }
0x4d: {  	_ =	shalt  }
0x4e: {  	_ =	shalt  }
0x4f: {  	_ =	shalt  }
0x50: {  	_ =	shalt  }
0x51: {  	_ =	shalt  }
0x52: {  	_ =	shalt  }
0x53: {  	_ =	shalt  }
0x54: {  	_ =	shalt  }
0x55: {  	_ =	shalt  }
0x56: {  	_ =	shalt  }
0x57: {  	_ =	shalt  }
0x58: {  	_ =	shalt  }
0x59: {  	_ =	shalt  }
0x5a: {  	_ =	shalt  }
0x5b: {  	_ =	shalt  }
0x5c: {  	_ =	shalt  }
0x5d: {  	_ =	shalt  }
0x5e: {  	_ =	shalt  }
0x5f: {  	_ =	shalt  }
0x60: {  	_ =	shalt  }
0x61: {  	_ =	shalt  }
0x62: {  	_ =	shalt  }
0x63: {  	_ =	shalt  }
0x64: {  	_ =	shalt  }
0x65: {  	_ =	shalt  }
0x66: {  	_ =	shalt  }
0x67: {  	_ =	shalt  }
0x68: {  	_ =	shalt  }
0x69: {  	_ =	shalt  }
0x6a: {  	_ =	shalt  }
0x6b: {  	_ =	shalt  }
0x6c: {  	_ =	shalt  }
0x6d: {  	_ =	shalt  }
0x6e: {  	_ =	shalt  }
0x6f: {  	_ =	shalt  }
0x70: {  	_ =	shalt  }
0x71: {  	_ =	shalt  }
0x72: {  	_ =	shalt  }
0x73: {  	_ =	shalt  }
0x74: {  	_ =	shalt  }
0x75: {  	_ =	shalt  }
0x76: {  	_ =	shalt  }
0x77: {  	_ =	shalt  }
0x78: {  	_ =	shalt  }
0x79: {  	_ =	shalt  }
0x7a: {  	_ =	shalt  }
0x7b: {  	_ =	shalt  }
0x7c: {  	_ =	shalt  }
0x7d: {  	_ =	shalt  }
0x7e: {  	_ =	shalt  }
0x7f: {  	_ =	shalt  }
0x80: {  	_ =	shalt  }
0x81: {  	_ =	shalt  }
0x82: {  	_ =	shalt  }
0x83: {  	_ =	shalt  }
0x84: {  	_ =	shalt  }
0x85: {  	_ =	shalt  }
0x86: {  	_ =	shalt  }
0x87: {  	_ =	shalt  }
.Lfunc_end0:
.L_simem_size_0:
called_computation_lowered:
.L_overlay_start_0:
0x88: {  	s2 =	sld [smem:$0x3FD9]  }
0x89: {  	s3 =	sld [smem:$0x3FFE];
	_ =	sdelay $0x1  }
0x8a: {  	s1 =	srdreg.scid  }
0x8b: {  	s0 =	sand.u32 $0x1, s1  }
0x8c: {  	s17 =	sshll.u32 s0, $0xA;
	s2 =	sadd.s32 s3, s2  }
0x8d: {  	s2 =	sadd.s32 s2, s17  }
0x8e: {  	[smem:$0x3FC2] =	sst s2  }
0x8f: {  	_ = 	snop  }
0x90: {  	s2 =	sld [smem:$0x3FD0];
	(tm) =	ssettm $0x1  }
0x91: {  	s18 =	sld [smem:$0x3FFB];
	_ =	sdelay $0x3  }
0x92: {  	_ =	strace s18  }
0x93: {  	s3 =	sld [smem:$0x3FFC];
	_ =	sdelay $0x3  }
0x94: {  	_ =	strace s3  }
0x95: {  	s3 =	sld [smem:$0x3FFD];
	_ =	sdelay $0x3  }
0x96: {  	_ =	strace s3  }
0x97: {  	_ =	strace $0x8FFFFFFF  }
0x98: {  	s19 =	sld [smem:$0x3FDB];
	_ =	sdelay $0x1  }
0x99: {  	s4 =	simm.s32 $_scs_section_size  }
0x9a: {  	s5 =	simm.s32 $_size__tile_overlayer_lowered;
	s6 =	simm.s32 $_tile_overlayer_lowered  }
0x9b: {  	s22 =	simm.s32 $0x1BFF;
	s21 =	sshll.u32 s6, $0x1;
	s3 =	sadd.s32 s4, s19  }
0x9c: {  	s7 =	simm.s32 $0x0;
	s20 =	sshll.u32 s5, $0x1;
	s5 =	sadd.s32 s21, s3  }
0x9d: {  	[timem:s7], [sflag:s22] =	dma.local [hbm:s5], s20  }
0x9e: {  	_ =	swait.ge [sflag:s22], s20  }
0x9f: {  	s4 =	ssub.s32 $0x0, s20;
	[sflag:s22] =	ssyncset.done $0x0  }
0xa0: {  	[sflag:s22] =	ssyncadd.s32 s4;
	_ =	sdelay $0x1  }
0xa1: {  	s23 =	simm.s32 $0x1B8B  }
0xa2: {  	_ =	swait.ge [sflag:s23], $0x1  }
0xa3: {  	[sflag:s23] =	ssyncset.done $0x0  }
0xa4: {  	s25 =	simm.s32 $0x1B8E;
	s24 =	sld [smem:$0x3FFE];
	[sflag:s23] =	ssyncadd.s32 $0xFFFFFFFF  }
0xa5: {  	s26 =	simm.s32 $execute0_lowered;
	[smem:$0x3FD2] =	sst s25  }
0xa6: {  	s5 =	sshll.u32 s26, $0x1;
	_ =	strace $0x80000046;
	[dreg:$0x1] =	wrdreg $0xFFFFFFFF  }
0xa7: {  	s28 =	simm.s32 $_size_execute0_lowered;
	s3 =	sadd.s32 s3, s5;
	[dreg:$0x0] =	wrdreg $0x0  }
0xa8: {  	s5 =	sshll.u32 s28, $0x1;
	[dreg:$0x2] =	wrdreg s3  }
0xa9: {  	[dreg:$0x3] =	wrdreg s5  }
0xaa: {  	[dreg:$0x4] =	wrdreg $0xC0  }
0xab: {  	_ =	task [dreg:s7], $0x5FFFF  }
0xac: {  	[dreg:$0x1] =	wrdreg $0xFFFFFFFF  }
0xad: {  	[dreg:$0x0] =	wrdreg $0x60  }
0xae: {  	[dreg:$0x2] =	wrdreg s24  }
0xaf: {  	[dreg:$0x3] =	wrdreg s2  }
0xb0: {  	[dreg:$0x4] =	wrdreg $0x9  }
0xb1: {  	_ =	task.clear_ibuf [dreg:s7], $0x5FFFF;
	_ =	strace $0x90000046  }
0xb2: {  	s29 =	simm.s32 $0x9;
	_ =	strace $0x80000048  }
0xb3: {  	_ =	swait.ge [sflag:s29], $0x1  }
0xb4: {  	[sflag:s29] =	ssyncadd.s32 $0xFFFFFFFF  }
0xb5: {  	_ =	strace $0x90000048  }
0xb6: {  	_ =	sfence  }
0xb7: {  	s30 =	sld [smem:$0x0];
	_ =	sdelay $0x2  }
0xb8: {  	s31 =	sshll.u32 s1, $0xD;
	s1 =	sshrl.u32 s1, $0x2  }
0xb9: {  	s3 =	sand.u32 $0x4000, s31;
	s1 =	sadd.s32 s1, s30  }
0xba: {  	s0 =	sor.u32 s3, s0;
	s1 =	sshll.u32 s1, $0x11  }
0xbb: {  	s0 =	sor.u32 s1, s0  }
0xbc: {  	s0 =	sadd.s32 $0x8F2B, s0  }
0xbd: {  	[sflag:s0] =	ssyncadd.remote.s32 $0x1  }
0xbe: {  	_ =	sfence.sel $0xFFFF  }
0xbf: {  	[dreg:$0x0] =	wrdreg $0xFFFFFFFF;
	(pc) =	sbr.abs _section_cstart, $3  }
0xc0: {  	[dreg:$0x1] =	wrdreg $0xFFFFFFFF  }
0xc1: {  	_ =	task.clear_ibuf [dreg:s7], $0x2FFFF;
	_ =	strace $0x9FFFFFFF  }
0xc2: {  	(tm) =	ssettm $0x7FFFFFFF  }
0xc3: {  	_ =	shalt  }
tec
execute0_lowered:
.L_overlay_start_1:
0x0: {  	(tag) =	ssettag $0x1  }
0x1: {  	s4 =	rddreg [dreg:$0x0]  }
0x2: {  	s1 =	rddreg [dreg:$0x1]  }
0x3: {  	s0 =	rddreg [dreg:$0x2];
	s2 =	simm.s32 $0x0  }
0x4: {  	[smem:$0x7FF] =	sst s2;
	s3 =	sadd.s32 $0x10, s1  }
0x5: {  	s16 =	sadd.s32 $0x20, s1;
	_ =	strace $0x80000047;
	[dreg:$0x3] =	wrdreg s3  }
0x6: {  	s6 =	sadd.s32 $0x30, s1;
	[dreg:$0x4] =	wrdreg s16  }
0x7: {  	s17 =	sadd.s32 $0x40, s1;
	[dreg:$0x5] =	wrdreg s6  }
0x8: {  	s18 =	sadd.s32 $0x50, s1;
	[dreg:$0x6] =	wrdreg s17  }
0x9: {  	s5 =	srdreg.scid;
	s20 =	sadd.s32 $0x60, s1;
	[dreg:$0x7] =	wrdreg s18  }
0xa: {  	s11 =	simm.s32 $0x80;
	s21 =	sadd.s32 $0x70, s1;
	[dreg:$0x8] =	wrdreg s20  }
0xb: {  	s12 =	simm.s32 $0x400;
	s22 =	sadd.s32 $0x200, s1;
	[dreg:$0x9] =	wrdreg s21  }
0xc: {  	s13 =	simm.s32 $0x1;
	s23 =	sadd.s32 $0x210, s1;
	[dreg:$0xa] =	wrdreg s22  }
0xd: {  	s14 =	simm.s32 $0x0;
	s25 =	sadd.s32 $0x220, s1;
	[dreg:$0xb] =	wrdreg s23  }
0xe: {  	s7 =	sand.u32 $0x1, s5;
	s26 =	sadd.s32 $0x230, s1;
	[dreg:$0xc] =	wrdreg s25  }
0xf: {  	s28 =	sadd.s32 $0x240, s1;
	s29 =	sadd.s32 $0x250, s1;
	[dreg:$0xd] =	wrdreg s26  }
0x10: {  	s10 =	sadd.s32 $0x260, s1;
	s31 =	sadd.s32 $0x270, s1;
	[dreg:$0xe] =	wrdreg s28  }
0x11: {  	s3 =	stileid.u32;
	s8 =	sshll.u32 s7, $0x8;
	[dreg:$0xf] =	wrdreg s29  }
0x12: {  	s24 =	ssub.s32 $0x2, s7;
	[dreg:$0x10] =	wrdreg s10;
	s19 =	sshll.u32 s3, $0x9  }
0x13: {  	s7 =	sshll.u32 s7, $0x11;
	[dreg:$0x11] =	wrdreg s31;
	s6 =	sor.u32 s8, s19  }
0x14: {  	s10 =	simm.s32 $0x1FE00;
	s30 =	sshll.u32 s3, $0x12;
	s6 =	sadd.s32 s6, s4  }
0x15: {  	s9 =	sshrl.u32 s24, $0x1;
	s5 =	sadd.s32 $0x1200, s6;
	s6 =	sor.u32 s7, s30  }
0x16: {  	s8 =	ssub.s32 s24, s9;
	s4 =	sadd.s32 $0x3240, s4;
	s9 =	sadd.s32 s6, s1  }
0x17: {  	s7 =	smax.u32 s8, $0x1;
	s8 =	sadd.s32 $0x2000, s9;
	s9 =	simm.s32 $0x2  }
.LBB2_1:
0x18: {  	[tilespmem:s2], [sflag:$0x2] =	stream.linear.gather [hbm4b:s4+s2], $0x1FE00, $0x38;
	[tilespmem:$0x1FE80] =	vst v63  }
0x19: {  	_ =	swait.ge [sflag:s9], $0x1FE00  }
0x1a: {  	[sflag:s9] =	ssyncset.done $0x0  }
0x1b: {  	[sflag:s9] =	ssyncadd.s32 $0xFFFE0200  }
0x1c: {  	[tilespmem:s10], [sflag:$0x2] =	stream.linear.gather [hbm4b:s5+s2], $0x80, $0x38;
	[tilespmem:$0x1FE80] =	vst v63  }
0x1d: {  	_ =	swait.ge [sflag:s9], $0x80  }
0x1e: {  	[sflag:s9] =	ssyncset.done $0x0  }
0x1f: {  	s15 =	simm.s32 $0x0;
	[sflag:s9] =	ssyncadd.s32 $0xFFFFFF80  }
0x20: {  	v0 =	vld [tilespmem:s15+$0x1FE00];
	_ =	sdelay $0x4  }
0x21: {  	(v2sf) =	vpush v0, $0x0;
	_ =	sdelay $0x1  }
0x22: {  	(v2sf) =	vpush v0, $0x1;
	_ =	sdelay $0x1  }
0x23: {  	(v2sf) =	vpush v0, $0x2;
	_ =	sdelay $0x1  }
0x24: {  	(v2sf) =	vpush v0, $0x3;
	_ =	sdelay $0x1  }
0x25: {  	(v2sf) =	vpush v0, $0x4;
	_ =	sdelay $0x1  }
0x26: {  	(v2sf) =	vpush v0, $0x5;
	_ =	sdelay $0x1  }
0x27: {  	(v2sf) =	vpush v0, $0x6  }
0x28: {  	s16 =	rddreg [dreg:$0x3]  }
0x29: {  	s18 =	rddreg [dreg:$0x4];
	s15 =	sand.u32 $0x1FFE1C00, s6;
	(v2sf) =	vpush v0, $0x7  }
0x2a: {  	s26 =	rddreg [dreg:$0x5];
	s17 =	sadd.s32 s1, s15;
	s19 =	spop (v2sf)  }
0x2b: {  	(v2sf) =	vpush v0, $0x8;
	[hbm4b:s17+s11] =	stream.strided.scatter [tilespmem:s19], [sflag:$0x1], $0x200, s12, s11, $0x38;
	[tilespmem:$0x1FE80] =	vst v63  }
0x2c: {  	s30 =	rddreg [dreg:$0x6];
	s16 =	sadd.s32 s15, s16;
	s28 =	spop (v2sf);
	(v2sf) =	vpush v0, $0x9  }
0x2d: {  	[hbm4b:s16+s11] =	stream.strided.scatter [tilespmem:s28], [sflag:$0x1], $0x200, s12, s11, $0x38;
	[tilespmem:$0x1FE80] =	vst v63  }
0x2e: {  	s20 =	rddreg [dreg:$0x7];
	s29 =	sadd.s32 s15, s18;
	s31 =	spop (v2sf);
	(v2sf) =	vpush v0, $0xA  }
0x2f: {  	[hbm4b:s29+s11] =	stream.strided.scatter [tilespmem:s31], [sflag:$0x1], $0x200, s12, s11, $0x38;
	[tilespmem:$0x1FE80] =	vst v63  }
0x30: {  	s23 =	rddreg [dreg:$0x8];
	s19 =	sadd.s32 s15, s26;
	s21 =	spop (v2sf);
	(v2sf) =	vpush v0, $0xB  }
0x31: {  	[hbm4b:s19+s11] =	stream.strided.scatter [tilespmem:s21], [sflag:$0x1], $0x200, s12, s11, $0x38;
	[tilespmem:$0x1FE80] =	vst v63  }
0x32: {  	s22 =	sadd.s32 s15, s30;
	s30 =	rddreg [dreg:$0xa];
	s24 =	spop (v2sf);
	(v2sf) =	vpush v0, $0xC  }
0x33: {  	[hbm4b:s22+s11] =	stream.strided.scatter [tilespmem:s24], [sflag:$0x1], $0x200, s12, s11, $0x38;
	[tilespmem:$0x1FE80] =	vst v63  }
0x34: {  	s25 =	sadd.s32 s15, s20;
	s20 =	rddreg [dreg:$0xb];
	s28 =	spop (v2sf);
	(v2sf) =	vpush v0, $0xD  }
0x35: {  	[hbm4b:s25+s11] =	stream.strided.scatter [tilespmem:s28], [sflag:$0x1], $0x200, s12, s11, $0x38;
	[tilespmem:$0x1FE80] =	vst v63  }
0x36: {  	s26 =	rddreg [dreg:$0x9];
	s29 =	sadd.s32 s15, s23;
	s31 =	spop (v2sf);
	(v2sf) =	vpush v0, $0xE  }
0x37: {  	[hbm4b:s29+s11] =	stream.strided.scatter [tilespmem:s31], [sflag:$0x1], $0x200, s12, s11, $0x38;
	[tilespmem:$0x1FE80] =	vst v63  }
0x38: {  	s17 =	simm.s32 $0x80;
	s19 =	sadd.s32 s15, s26;
	s21 =	spop (v2sf);
	(v2sf) =	vpush v0, $0xF  }
0x39: {  	[hbm4b:s19+s11] =	stream.strided.scatter [tilespmem:s21], [sflag:$0x1], $0x200, s12, s11, $0x38;
	[tilespmem:$0x1FE80] =	vst v63  }
0x3a: {  	s16 =	simm.s32 $0x10;
	s23 =	rddreg [dreg:$0xc];
	s24 =	spop (v2sf)  }
0x3b: {  	s26 =	rddreg [dreg:$0xd];
	s22 =	sadd.s32 s15, s30;
	s28 =	spop (v2sf)  }
0x3c: {  	[hbm4b:s22+s11] =	stream.strided.scatter [tilespmem:s24], [sflag:$0x1], $0x200, s12, s11, $0x38;
	[tilespmem:$0x1FE80] =	vst v63  }
0x3d: {  	s30 =	rddreg [dreg:$0xe];
	s25 =	sadd.s32 s15, s20;
	s31 =	spop (v2sf)  }
0x3e: {  	[hbm4b:s25+s11] =	stream.strided.scatter [tilespmem:s28], [sflag:$0x1], $0x200, s12, s11, $0x38;
	[tilespmem:$0x1FE80] =	vst v63  }
0x3f: {  	s20 =	sadd.s32 s15, s26;
	s29 =	sadd.s32 s15, s23;
	s22 =	spop (v2sf)  }
0x40: {  	[hbm4b:s29+s11] =	stream.strided.scatter [tilespmem:s31], [sflag:$0x1], $0x200, s12, s11, $0x38;
	[tilespmem:$0x1FE80] =	vst v63  }
0x41: {  	s23 =	sadd.s32 s15, s30;
	s21 =	rddreg [dreg:$0xf];
	s25 =	spop (v2sf)  }
0x42: {  	[hbm4b:s20+s11] =	stream.strided.scatter [tilespmem:s22], [sflag:$0x1], $0x200, s12, s11, $0x38;
	[tilespmem:$0x1FE80] =	vst v63  }
0x43: {  	s26 =	sadd.s32 s15, s21;
	s24 =	rddreg [dreg:$0x10];
	s28 =	spop (v2sf)  }
0x44: {  	[hbm4b:s23+s11] =	stream.strided.scatter [tilespmem:s25], [sflag:$0x1], $0x200, s12, s11, $0x38;
	[tilespmem:$0x1FE80] =	vst v63  }
0x45: {  	s30 =	sadd.s32 s15, s24;
	s29 =	rddreg [dreg:$0x11];
	s31 =	spop (v2sf)  }
0x46: {  	[hbm4b:s26+s11] =	stream.strided.scatter [tilespmem:s28], [sflag:$0x1], $0x200, s12, s11, $0x38;
	[tilespmem:$0x1FE80] =	vst v63  }
0x47: {  	s18 =	sadd.s32 s15, s29;
	s15 =	sadd.s32 $0x400, s6;
	s19 =	spop (v2sf)  }
0x48: {  	[hbm4b:s30+s11] =	stream.strided.scatter [tilespmem:s31], [sflag:$0x1], $0x200, s12, s11, $0x38;
	[tilespmem:$0x1FE80] =	vst v63  }
.LBB2_2:
0x49: {  	[hbm4b:s18+s11] =	stream.strided.scatter [tilespmem:s19], [sflag:$0x1], $0x200, s12, s11, $0x38;
	[tilespmem:$0x1FE80] =	vst v63  }
0x4a: {  	v0 =	vld [tilespmem:s16+$0x1FE00];
	_ =	sdelay $0x4  }
0x4b: {  	(v2sf) =	vpush v0, $0x0;
	_ =	sdelay $0x1  }
0x4c: {  	(v2sf) =	vpush v0, $0x1;
	_ =	sdelay $0x1  }
0x4d: {  	(v2sf) =	vpush v0, $0x2;
	_ =	sdelay $0x1  }
0x4e: {  	(v2sf) =	vpush v0, $0x3;
	_ =	sdelay $0x1  }
0x4f: {  	(v2sf) =	vpush v0, $0x4;
	_ =	sdelay $0x1  }
0x50: {  	(v2sf) =	vpush v0, $0x5;
	_ =	sdelay $0x1  }
0x51: {  	s18 =	rddreg [dreg:$0x11];
	(v2sf) =	vpush v0, $0x6  }
0x52: {  	s20 =	rddreg [dreg:$0x3]  }
0x53: {  	p0 =	sne.s32 s17, $0x1C0;
	s19 =	sand.u32 $0x1FFE1C00, s15;
	s22 =	rddreg [dreg:$0x4];
	(v2sf) =	vpush v0, $0x7  }
0x54: {  	s30 =	rddreg [dreg:$0x5];
	s21 =	sadd.s32 s1, s19;
	s23 =	spop (v2sf)  }
0x55: {  	(v2sf) =	vpush v0, $0x8;
	[hbm4b:s21+s11] =	stream.strided.scatter [tilespmem:s23], [sflag:$0x1], $0x200, s12, s11, $0x38;
	[tilespmem:$0x1FE80] =	vst v63  }
0x56: {  	s24 =	rddreg [dreg:$0x6];
	s20 =	sadd.s32 s19, s20;
	s31 =	spop (v2sf)  }
0x57: {  	(v2sf) =	vpush v0, $0x9;
	[hbm4b:s20+s11] =	stream.strided.scatter [tilespmem:s31], [sflag:$0x1], $0x200, s12, s11, $0x38;
	[tilespmem:$0x1FE80] =	vst v63  }
0x58: {  	s28 =	rddreg [dreg:$0x7];
	s23 =	sadd.s32 s19, s22;
	s25 =	spop (v2sf)  }
0x59: {  	(v2sf) =	vpush v0, $0xA;
	[hbm4b:s23+s11] =	stream.strided.scatter [tilespmem:s25], [sflag:$0x1], $0x200, s12, s11, $0x38;
	[tilespmem:$0x1FE80] =	vst v63  }
0x5a: {  	s15 =	sadd.s32 $0x400, s15;
	s26 =	sadd.s32 s19, s30;
	s29 =	spop (v2sf)  }
0x5b: {  	(v2sf) =	vpush v0, $0xB;
	[hbm4b:s26+s11] =	stream.strided.scatter [tilespmem:s29], [sflag:$0x1], $0x200, s12, s11, $0x38;
	[tilespmem:$0x1FE80] =	vst v63  }
0x5c: {  	s16 =	sshra.s32 s17, $0x2;
	s30 =	sadd.s32 s19, s24;
	s24 =	spop (v2sf)  }
0x5d: {  	(v2sf) =	vpush v0, $0xC;
	[hbm4b:s30+s11] =	stream.strided.scatter [tilespmem:s24], [sflag:$0x1], $0x200, s12, s11, $0x38;
	[tilespmem:$0x1FE80] =	vst v63  }
0x5e: {  	s31 =	rddreg [dreg:$0x8];
	s25 =	sadd.s32 s19, s28;
	s28 =	spop (v2sf)  }
0x5f: {  	(v2sf) =	vpush v0, $0xD;
	[hbm4b:s25+s11] =	stream.strided.scatter [tilespmem:s28], [sflag:$0x1], $0x200, s12, s11, $0x38;
	[tilespmem:$0x1FE80] =	vst v63  }
0x60: {  	s26 =	rddreg [dreg:$0x9];
	s29 =	sadd.s32 s19, s31;
	s31 =	spop (v2sf);
	(v2sf) =	vpush v0, $0xE  }
0x61: {  	[hbm4b:s29+s11] =	stream.strided.scatter [tilespmem:s31], [sflag:$0x1], $0x200, s12, s11, $0x38;
	[tilespmem:$0x1FE80] =	vst v63  }
0x62: {  	s23 =	sadd.s32 s19, s26;
	s30 =	rddreg [dreg:$0xa];
	s25 =	spop (v2sf);
	(v2sf) =	vpush v0, $0xF  }
0x63: {  	[hbm4b:s23+s11] =	stream.strided.scatter [tilespmem:s25], [sflag:$0x1], $0x200, s12, s11, $0x38;
	[tilespmem:$0x1FE80] =	vst v63  }
0x64: {  	s24 =	rddreg [dreg:$0xb];
	s26 =	sadd.s32 s19, s30;
	s29 =	spop (v2sf)  }
0x65: {  	[hbm4b:s26+s11] =	stream.strided.scatter [tilespmem:s29], [sflag:$0x1], $0x200, s12, s11, $0x38;
	[tilespmem:$0x1FE80] =	vst v63  }
0x66: {  	s30 =	sadd.s32 s19, s24;
	s28 =	rddreg [dreg:$0xc];
	s24 =	spop (v2sf)  }
0x67: {  	[hbm4b:s30+s11] =	stream.strided.scatter [tilespmem:s24], [sflag:$0x1], $0x200, s12, s11, $0x38;
	[tilespmem:$0x1FE80] =	vst v63  }
0x68: {  	s31 =	rddreg [dreg:$0xd];
	s25 =	sadd.s32 s19, s28;
	s28 =	spop (v2sf)  }
0x69: {  	[hbm4b:s25+s11] =	stream.strided.scatter [tilespmem:s28], [sflag:$0x1], $0x200, s12, s11, $0x38;
	[tilespmem:$0x1FE80] =	vst v63  }
0x6a: {  	s26 =	rddreg [dreg:$0xe];
	s29 =	sadd.s32 s19, s31;
	s31 =	spop (v2sf)  }
0x6b: {  	[hbm4b:s29+s11] =	stream.strided.scatter [tilespmem:s31], [sflag:$0x1], $0x200, s12, s11, $0x38;
	[tilespmem:$0x1FE80] =	vst v63  }
0x6c: {  	s30 =	rddreg [dreg:$0xf];
	s24 =	sadd.s32 s19, s26;
	s26 =	spop (v2sf)  }
0x6d: {  	[hbm4b:s24+s11] =	stream.strided.scatter [tilespmem:s26], [sflag:$0x1], $0x200, s12, s11, $0x38;
	[tilespmem:$0x1FE80] =	vst v63  }
.Ltmp0:
0x6e: {  	s17 =	sadd.s32 $0x40, s17;
	s29 =	spop (v2sf);
	(pc) =	sbr.rel @p0 .LBB2_2-.Ltmp0, $4  }
0x6f: {  	s25 =	rddreg [dreg:$0x10];
	s28 =	sadd.s32 s19, s30;
	s31 =	spop (v2sf)  }
0x70: {  	[hbm4b:s28+s11] =	stream.strided.scatter [tilespmem:s29], [sflag:$0x1], $0x200, s12, s11, $0x38;
	[tilespmem:$0x1FE80] =	vst v63  }
0x71: {  	s18 =	sadd.s32 s19, s18;
	s30 =	sadd.s32 s19, s25;
	s19 =	spop (v2sf)  }
0x72: {  	[hbm4b:s30+s11] =	stream.strided.scatter [tilespmem:s31], [sflag:$0x1], $0x200, s12, s11, $0x38;
	[tilespmem:$0x1FE80] =	vst v63  }
0x73: {  	[hbm4b:s18+s11] =	stream.strided.scatter [tilespmem:s19], [sflag:$0x1], $0x200, s12, s11, $0x38;
	[tilespmem:$0x1FE80] =	vst v63  }
0x74: {  	v0 =	vld [tilespmem:s16+$0x1FE00];
	_ =	sdelay $0x4  }
0x75: {  	(v2sf) =	vpush v0, $0x0;
	_ =	sdelay $0x1  }
0x76: {  	(v2sf) =	vpush v0, $0x1;
	_ =	sdelay $0x1  }
0x77: {  	(v2sf) =	vpush v0, $0x2;
	_ =	sdelay $0x1  }
0x78: {  	(v2sf) =	vpush v0, $0x3;
	_ =	sdelay $0x1  }
0x79: {  	(v2sf) =	vpush v0, $0x4;
	_ =	sdelay $0x1  }
0x7a: {  	(v2sf) =	vpush v0, $0x5;
	_ =	sdelay $0x1  }
0x7b: {  	(v2sf) =	vpush v0, $0x6;
	_ =	sdelay $0x1  }
0x7c: {  	s15 =	sand.u32 $0x1FFE1C00, s15;
	(v2sf) =	vpush v0, $0x7  }
0x7d: {  	s23 =	rddreg [dreg:$0x3];
	s17 =	sadd.s32 s1, s15;
	s25 =	spop (v2sf)  }
0x7e: {  	(v2sf) =	vpush v0, $0x8;
	[hbm4b:s17+s11] =	stream.strided.scatter [tilespmem:s25], [sflag:$0x1], $0x200, s12, s11, $0x38;
	[tilespmem:$0x1FE80] =	vst v63  }
0x7f: {  	s24 =	rddreg [dreg:$0x4];
	s16 =	sadd.s32 s15, s23;
	s28 =	spop (v2sf)  }
0x80: {  	(v2sf) =	vpush v0, $0x9;
	[hbm4b:s16+s11] =	stream.strided.scatter [tilespmem:s28], [sflag:$0x1], $0x200, s12, s11, $0x38;
	[tilespmem:$0x1FE80] =	vst v63  }
0x81: {  	s26 =	rddreg [dreg:$0x5];
	s29 =	sadd.s32 s15, s24;
	s31 =	spop (v2sf)  }
0x82: {  	(v2sf) =	vpush v0, $0xA;
	[hbm4b:s29+s11] =	stream.strided.scatter [tilespmem:s31], [sflag:$0x1], $0x200, s12, s11, $0x38;
	[tilespmem:$0x1FE80] =	vst v63  }
0x83: {  	s30 =	rddreg [dreg:$0x6];
	s19 =	sadd.s32 s15, s26;
	s21 =	spop (v2sf)  }
0x84: {  	(v2sf) =	vpush v0, $0xB;
	[hbm4b:s19+s11] =	stream.strided.scatter [tilespmem:s21], [sflag:$0x1], $0x200, s12, s11, $0x38;
	[tilespmem:$0x1FE80] =	vst v63  }
0x85: {  	s20 =	rddreg [dreg:$0x7];
	s22 =	sadd.s32 s15, s30;
	s24 =	spop (v2sf)  }
0x86: {  	(v2sf) =	vpush v0, $0xC;
	[hbm4b:s22+s11] =	stream.strided.scatter [tilespmem:s24], [sflag:$0x1], $0x200, s12, s11, $0x38;
	[tilespmem:$0x1FE80] =	vst v63  }
0x87: {  	s23 =	rddreg [dreg:$0x8];
	s25 =	sadd.s32 s15, s20;
	s28 =	spop (v2sf)  }
0x88: {  	(v2sf) =	vpush v0, $0xD;
	[hbm4b:s25+s11] =	stream.strided.scatter [tilespmem:s28], [sflag:$0x1], $0x200, s12, s11, $0x38;
	[tilespmem:$0x1FE80] =	vst v63  }
0x89: {  	s26 =	rddreg [dreg:$0x9];
	s29 =	sadd.s32 s15, s23;
	s31 =	spop (v2sf)  }
0x8a: {  	(v2sf) =	vpush v0, $0xE;
	[hbm4b:s29+s11] =	stream.strided.scatter [tilespmem:s31], [sflag:$0x1], $0x200, s12, s11, $0x38;
	[tilespmem:$0x1FE80] =	vst v63  }
0x8b: {  	s30 =	rddreg [dreg:$0xa];
	s19 =	sadd.s32 s15, s26;
	s21 =	spop (v2sf)  }
0x8c: {  	(v2sf) =	vpush v0, $0xF;
	[hbm4b:s19+s11] =	stream.strided.scatter [tilespmem:s21], [sflag:$0x1], $0x200, s12, s11, $0x38;
	[tilespmem:$0x1FE80] =	vst v63  }
0x8d: {  	s20 =	rddreg [dreg:$0xb];
	s22 =	sadd.s32 s15, s30;
	s24 =	spop (v2sf)  }
0x8e: {  	[hbm4b:s22+s11] =	stream.strided.scatter [tilespmem:s24], [sflag:$0x1], $0x200, s12, s11, $0x38;
	[tilespmem:$0x1FE80] =	vst v63  }
0x8f: {  	s23 =	rddreg [dreg:$0xc];
	s25 =	sadd.s32 s15, s20;
	s28 =	spop (v2sf)  }
0x90: {  	[hbm4b:s25+s11] =	stream.strided.scatter [tilespmem:s28], [sflag:$0x1], $0x200, s12, s11, $0x38;
	[tilespmem:$0x1FE80] =	vst v63  }
0x91: {  	s26 =	rddreg [dreg:$0xd];
	s29 =	sadd.s32 s15, s23;
	s31 =	spop (v2sf)  }
0x92: {  	[hbm4b:s29+s11] =	stream.strided.scatter [tilespmem:s31], [sflag:$0x1], $0x200, s12, s11, $0x38;
	[tilespmem:$0x1FE80] =	vst v63  }
0x93: {  	s30 =	rddreg [dreg:$0xe];
	s20 =	sadd.s32 s15, s26;
	s22 =	spop (v2sf)  }
0x94: {  	[hbm4b:s20+s11] =	stream.strided.scatter [tilespmem:s22], [sflag:$0x1], $0x200, s12, s11, $0x38;
	[tilespmem:$0x1FE80] =	vst v63  }
0x95: {  	s23 =	sadd.s32 s15, s30;
	s21 =	rddreg [dreg:$0xf];
	s25 =	spop (v2sf)  }
0x96: {  	[hbm4b:s23+s11] =	stream.strided.scatter [tilespmem:s25], [sflag:$0x1], $0x200, s12, s11, $0x38;
	[tilespmem:$0x1FE80] =	vst v63  }
0x97: {  	s17 =	sadd.s32 s15, s21;
	s24 =	rddreg [dreg:$0x10];
	s28 =	spop (v2sf)  }
0x98: {  	[hbm4b:s17+s11] =	stream.strided.scatter [tilespmem:s28], [sflag:$0x1], $0x200, s12, s11, $0x38;
	[tilespmem:$0x1FE80] =	vst v63  }
0x99: {  	s26 =	rddreg [dreg:$0x11];
	s29 =	sadd.s32 s15, s24;
	s30 =	spop (v2sf)  }
0x9a: {  	[hbm4b:s29+s11] =	stream.strided.scatter [tilespmem:s30], [sflag:$0x1], $0x200, s12, s11, $0x38;
	[tilespmem:$0x1FE80] =	vst v63  }
0x9b: {  	s15 =	sadd.s32 s15, s26;
	s31 =	spop (v2sf)  }
0x9c: {  	[hbm4b:s15+s11] =	stream.strided.scatter [tilespmem:s31], [sflag:$0x1], $0x200, s12, s11, $0x38;
	[tilespmem:$0x1FE80] =	vst v63  }
0x9d: {  	s16 =	smov.u32 s8;
	s15 =	simm.s32 $0x1  }
.LBB2_4:
0x9e: {  	s17 =	sshll.u32 s15, $0x4  }
0x9f: {  	s18 =	simm.s32 $0x0;
	s19 =	simm.s32 $0x1FE00;
	s17 =	sadd.s32 s17, s5  }
0xa0: {  	[tilespmem:s19], [sflag:$0x2] =	stream.linear.gather [hbm4b:s17+s18], $0x80, $0x38;
	[tilespmem:$0x1FE80] =	vst v63  }
0xa1: {  	_ =	swait.ge [sflag:s9], $0x80  }
0xa2: {  	[sflag:s9] =	ssyncset.done $0x0  }
0xa3: {  	[sflag:s9] =	ssyncadd.s32 $0xFFFFFF80  }
0xa4: {  	v0 =	vld [tilespmem:s19+$0x0];
	_ =	sdelay $0x4  }
0xa5: {  	(v2sf) =	vpush v0, $0x0;
	_ =	sdelay $0x1  }
0xa6: {  	(v2sf) =	vpush v0, $0x1;
	_ =	sdelay $0x1  }
0xa7: {  	(v2sf) =	vpush v0, $0x2;
	_ =	sdelay $0x1  }
0xa8: {  	(v2sf) =	vpush v0, $0x3;
	_ =	sdelay $0x1  }
0xa9: {  	(v2sf) =	vpush v0, $0x4;
	_ =	sdelay $0x1  }
0xaa: {  	(v2sf) =	vpush v0, $0x5;
	_ =	sdelay $0x1  }
0xab: {  	(v2sf) =	vpush v0, $0x6;
	_ =	sdelay $0x1  }
0xac: {  	(v2sf) =	vpush v0, $0x7  }
0xad: {  	s18 =	sadd.s32 $0x0, s16;
	s26 =	spop (v2sf)  }
0xae: {  	(v2sf) =	vpush v0, $0x8;
	[hbm4b:s18+s11] =	stream.strided.scatter [tilespmem:s26], [sflag:$0x1], $0x200, s12, s11, $0x38;
	[tilespmem:$0x1FE80] =	vst v63  }
0xaf: {  	s28 =	sadd.s32 $0x10, s18;
	s29 =	spop (v2sf);
	(v2sf) =	vpush v0, $0x9  }
0xb0: {  	[hbm4b:s28+s11] =	stream.strided.scatter [tilespmem:s29], [sflag:$0x1], $0x200, s12, s11, $0x38;
	[tilespmem:$0x1FE80] =	vst v63  }
0xb1: {  	s30 =	sadd.s32 $0x20, s18;
	s31 =	spop (v2sf);
	(v2sf) =	vpush v0, $0xA  }
0xb2: {  	[hbm4b:s30+s11] =	stream.strided.scatter [tilespmem:s31], [sflag:$0x1], $0x200, s12, s11, $0x38;
	[tilespmem:$0x1FE80] =	vst v63  }
0xb3: {  	s19 =	sadd.s32 $0x30, s18;
	s20 =	spop (v2sf);
	(v2sf) =	vpush v0, $0xB  }
0xb4: {  	[hbm4b:s19+s11] =	stream.strided.scatter [tilespmem:s20], [sflag:$0x1], $0x200, s12, s11, $0x38;
	[tilespmem:$0x1FE80] =	vst v63  }
0xb5: {  	s21 =	sadd.s32 $0x40, s18;
	s22 =	spop (v2sf);
	(v2sf) =	vpush v0, $0xC  }
0xb6: {  	[hbm4b:s21+s11] =	stream.strided.scatter [tilespmem:s22], [sflag:$0x1], $0x200, s12, s11, $0x38;
	[tilespmem:$0x1FE80] =	vst v63  }
0xb7: {  	s23 =	sadd.s32 $0x50, s18;
	s24 =	spop (v2sf);
	(v2sf) =	vpush v0, $0xD  }
0xb8: {  	[hbm4b:s23+s11] =	stream.strided.scatter [tilespmem:s24], [sflag:$0x1], $0x200, s12, s11, $0x38;
	[tilespmem:$0x1FE80] =	vst v63  }
0xb9: {  	s25 =	sadd.s32 $0x60, s18;
	s26 =	spop (v2sf);
	(v2sf) =	vpush v0, $0xE  }
0xba: {  	[hbm4b:s25+s11] =	stream.strided.scatter [tilespmem:s26], [sflag:$0x1], $0x200, s12, s11, $0x38;
	[tilespmem:$0x1FE80] =	vst v63  }
0xbb: {  	s28 =	sadd.s32 $0x70, s18;
	s29 =	spop (v2sf);
	(v2sf) =	vpush v0, $0xF  }
0xbc: {  	[hbm4b:s28+s11] =	stream.strided.scatter [tilespmem:s29], [sflag:$0x1], $0x200, s12, s11, $0x38;
	[tilespmem:$0x1FE80] =	vst v63  }
0xbd: {  	s31 =	spop (v2sf)  }
0xbe: {  	s30 =	sadd.s32 $0x200, s18;
	s20 =	spop (v2sf)  }
0xbf: {  	[hbm4b:s30+s11] =	stream.strided.scatter [tilespmem:s31], [sflag:$0x1], $0x200, s12, s11, $0x38;
	[tilespmem:$0x1FE80] =	vst v63  }
0xc0: {  	s19 =	sadd.s32 $0x210, s18;
	s22 =	spop (v2sf)  }
0xc1: {  	[hbm4b:s19+s11] =	stream.strided.scatter [tilespmem:s20], [sflag:$0x1], $0x200, s12, s11, $0x38;
	[tilespmem:$0x1FE80] =	vst v63  }
0xc2: {  	s21 =	sadd.s32 $0x220, s18;
	s24 =	spop (v2sf)  }
0xc3: {  	[hbm4b:s21+s11] =	stream.strided.scatter [tilespmem:s22], [sflag:$0x1], $0x200, s12, s11, $0x38;
	[tilespmem:$0x1FE80] =	vst v63  }
0xc4: {  	s23 =	sadd.s32 $0x230, s18;
	s26 =	spop (v2sf)  }
0xc5: {  	[hbm4b:s23+s11] =	stream.strided.scatter [tilespmem:s24], [sflag:$0x1], $0x200, s12, s11, $0x38;
	[tilespmem:$0x1FE80] =	vst v63  }
0xc6: {  	s17 =	simm.s32 $0x400;
	s25 =	sadd.s32 $0x240, s18;
	s29 =	spop (v2sf)  }
0xc7: {  	[hbm4b:s25+s11] =	stream.strided.scatter [tilespmem:s26], [sflag:$0x1], $0x200, s12, s11, $0x38;
	[tilespmem:$0x1FE80] =	vst v63  }
0xc8: {  	s28 =	sadd.s32 $0x250, s18;
	s30 =	sadd.s32 $0x260, s18;
	s31 =	spop (v2sf)  }
0xc9: {  	[hbm4b:s28+s11] =	stream.strided.scatter [tilespmem:s29], [sflag:$0x1], $0x200, s12, s11, $0x38;
	[tilespmem:$0x1FE80] =	vst v63  }
0xca: {  	s19 =	sadd.s32 $0x270, s18;
	s18 =	simm.s32 $0x1FE10;
	s20 =	spop (v2sf)  }
0xcb: {  	[hbm4b:s30+s11] =	stream.strided.scatter [tilespmem:s31], [sflag:$0x1], $0x200, s12, s11, $0x38;
	[tilespmem:$0x1FE80] =	vst v63  }
.LBB2_5:
0xcc: {  	[hbm4b:s19+s11] =	stream.strided.scatter [tilespmem:s20], [sflag:$0x1], $0x200, s12, s11, $0x38;
	[tilespmem:$0x1FE80] =	vst v63  }
0xcd: {  	p0 =	sne.s32 s17, $0x1C00;
	s19 =	smov.u32 s17;
	s17 =	sadd.s32 $0x400, s17;
	v0 =	vld [tilespmem:s18+$0x0]  }
0xce: {  	_ =	sdelay $0x3  }
0xcf: {  	(v2sf) =	vpush v0, $0x0;
	_ =	sdelay $0x1  }
0xd0: {  	(v2sf) =	vpush v0, $0x1;
	_ =	sdelay $0x1  }
0xd1: {  	(v2sf) =	vpush v0, $0x2;
	_ =	sdelay $0x1  }
0xd2: {  	(v2sf) =	vpush v0, $0x3;
	_ =	sdelay $0x1  }
0xd3: {  	(v2sf) =	vpush v0, $0x4;
	_ =	sdelay $0x1  }
0xd4: {  	(v2sf) =	vpush v0, $0x5;
	_ =	sdelay $0x1  }
0xd5: {  	(v2sf) =	vpush v0, $0x6;
	_ =	sdelay $0x1  }
0xd6: {  	(v2sf) =	vpush v0, $0x7  }
0xd7: {  	s19 =	sadd.s32 s19, s16;
	s20 =	spop (v2sf)  }
0xd8: {  	[hbm4b:s19+s11] =	stream.strided.scatter [tilespmem:s20], [sflag:$0x1], $0x200, s12, s11, $0x38;
	(v2sf) =	vpush v0, $0x8;
	[tilespmem:$0x1FE80] =	vst v63  }
0xd9: {  	s20 =	sadd.s32 $0x10, s19;
	s21 =	spop (v2sf)  }
0xda: {  	[hbm4b:s20+s11] =	stream.strided.scatter [tilespmem:s21], [sflag:$0x1], $0x200, s12, s11, $0x38;
	(v2sf) =	vpush v0, $0x9;
	[tilespmem:$0x1FE80] =	vst v63  }
0xdb: {  	s20 =	sadd.s32 $0x20, s19;
	s21 =	spop (v2sf)  }
0xdc: {  	[hbm4b:s20+s11] =	stream.strided.scatter [tilespmem:s21], [sflag:$0x1], $0x200, s12, s11, $0x38;
	(v2sf) =	vpush v0, $0xA;
	[tilespmem:$0x1FE80] =	vst v63  }
0xdd: {  	s20 =	sadd.s32 $0x30, s19;
	s21 =	spop (v2sf)  }
0xde: {  	[hbm4b:s20+s11] =	stream.strided.scatter [tilespmem:s21], [sflag:$0x1], $0x200, s12, s11, $0x38;
	(v2sf) =	vpush v0, $0xB;
	[tilespmem:$0x1FE80] =	vst v63  }
0xdf: {  	s20 =	sadd.s32 $0x40, s19;
	s21 =	spop (v2sf)  }
0xe0: {  	[hbm4b:s20+s11] =	stream.strided.scatter [tilespmem:s21], [sflag:$0x1], $0x200, s12, s11, $0x38;
	(v2sf) =	vpush v0, $0xC;
	[tilespmem:$0x1FE80] =	vst v63  }
0xe1: {  	s20 =	sadd.s32 $0x50, s19;
	s21 =	spop (v2sf)  }
0xe2: {  	[hbm4b:s20+s11] =	stream.strided.scatter [tilespmem:s21], [sflag:$0x1], $0x200, s12, s11, $0x38;
	(v2sf) =	vpush v0, $0xD;
	[tilespmem:$0x1FE80] =	vst v63  }
0xe3: {  	s20 =	sadd.s32 $0x60, s19;
	s21 =	spop (v2sf)  }
0xe4: {  	[hbm4b:s20+s11] =	stream.strided.scatter [tilespmem:s21], [sflag:$0x1], $0x200, s12, s11, $0x38;
	(v2sf) =	vpush v0, $0xE;
	[tilespmem:$0x1FE80] =	vst v63  }
0xe5: {  	s20 =	sadd.s32 $0x70, s19;
	s21 =	spop (v2sf)  }
0xe6: {  	[hbm4b:s20+s11] =	stream.strided.scatter [tilespmem:s21], [sflag:$0x1], $0x200, s12, s11, $0x38;
	(v2sf) =	vpush v0, $0xF;
	[tilespmem:$0x1FE80] =	vst v63  }
0xe7: {  	s20 =	sadd.s32 $0x200, s19;
	s21 =	spop (v2sf)  }
0xe8: {  	[hbm4b:s20+s11] =	stream.strided.scatter [tilespmem:s21], [sflag:$0x1], $0x200, s12, s11, $0x38;
	[tilespmem:$0x1FE80] =	vst v63  }
0xe9: {  	s20 =	sadd.s32 $0x210, s19;
	s21 =	spop (v2sf)  }
0xea: {  	[hbm4b:s20+s11] =	stream.strided.scatter [tilespmem:s21], [sflag:$0x1], $0x200, s12, s11, $0x38;
	[tilespmem:$0x1FE80] =	vst v63  }
0xeb: {  	s20 =	sadd.s32 $0x220, s19;
	s21 =	spop (v2sf)  }
0xec: {  	[hbm4b:s20+s11] =	stream.strided.scatter [tilespmem:s21], [sflag:$0x1], $0x200, s12, s11, $0x38;
	[tilespmem:$0x1FE80] =	vst v63  }
0xed: {  	s20 =	sadd.s32 $0x230, s19;
	s21 =	spop (v2sf)  }
0xee: {  	[hbm4b:s20+s11] =	stream.strided.scatter [tilespmem:s21], [sflag:$0x1], $0x200, s12, s11, $0x38;
	[tilespmem:$0x1FE80] =	vst v63  }
0xef: {  	s20 =	sadd.s32 $0x240, s19;
	s21 =	spop (v2sf)  }
0xf0: {  	[hbm4b:s20+s11] =	stream.strided.scatter [tilespmem:s21], [sflag:$0x1], $0x200, s12, s11, $0x38;
	[tilespmem:$0x1FE80] =	vst v63  }
.Ltmp1:
0xf1: {  	s20 =	sadd.s32 $0x250, s19;
	s21 =	spop (v2sf);
	(pc) =	sbr.rel @p0 .LBB2_5-.Ltmp1, $4  }
0xf2: {  	[hbm4b:s20+s11] =	stream.strided.scatter [tilespmem:s21], [sflag:$0x1], $0x200, s12, s11, $0x38;
	[tilespmem:$0x1FE80] =	vst v63  }
0xf3: {  	s20 =	sadd.s32 $0x260, s19;
	s21 =	spop (v2sf)  }
0xf4: {  	[hbm4b:s20+s11] =	stream.strided.scatter [tilespmem:s21], [sflag:$0x1], $0x200, s12, s11, $0x38;
	[tilespmem:$0x1FE80] =	vst v63  }
0xf5: {  	s18 =	sadd.s32 $0x10, s18;
	s19 =	sadd.s32 $0x270, s19;
	s20 =	spop (v2sf)  }
0xf6: {  	s15 =	sadd.s32 $0x1, s15  }
0xf7: {  	p0 =	sne.s32 s15, $0x10  }
.Ltmp2:
0xf8: {  	_ = 	snop;
	(pc) =	sbr.rel @p0 .LBB2_4-.Ltmp2, $4  }
0xf9: {  	[hbm4b:s19+s11] =	stream.strided.scatter [tilespmem:s20], [sflag:$0x1], $0x200, s12, s11, $0x38;
	[tilespmem:$0x1FE80] =	vst v63  }
0xfa: {  	_ =	swait.ge [sflag:s13], $0x2000  }
0xfb: {  	[sflag:s13] =	ssyncset.done $0x0  }
0xfc: {  	s16 =	sadd.s32 $0x2000, s16;
	[sflag:s13] =	ssyncadd.s32 $0xFFFFE000  }
0xfd: {  	s14 =	sadd.s32 $0x1, s14  }
0xfe: {  	p0 =	sne.s32 s14, s7  }
.Ltmp3:
0xff: {  	_ = 	snop;
	(pc) =	sbr.rel @p0 .LBB2_1-.Ltmp3, $4  }
0x100: {  	_ = 	snop  }
0x101: {  	_ =	swait.ge [sflag:s13], $0x2000  }
0x102: {  	[sflag:s13] =	ssyncset.done $0x0  }
0x103: {  	[sflag:s13] =	ssyncadd.s32 $0xFFFFE000  }
0x104: {  	_ =	sfence.sel $0x180000  }
0x105: {  	[bflag:$0x0] =	sbarrier.arrive $0xFFFF  }
0x106: {  	p0 =	sne.s32 s3, $0x0;
	_ =	strace $0x90000047  }
0x107: {  	s0 =	sadd.s32 @!p0 $0x100000, s0;
	[bflag:$0x2] =	sbarrier.arrive $0xFFFF  }
0x108: {  	[sflag:s0] =	ssyncadd.tile.s32 @!p0 $0x1;
	_ =	shalt  }
.Lfunc_end2:
_tile_overlayer_lowered:
.L_overlay_start_2:
0x109: {  	(tag) =	ssettag $0x2  }
0x10a: {  	s0 =	rddreg [dreg:$0x0];
	s2 =	stileid.u32  }
0x10b: {  	s1 =	rddreg [dreg:$0x1];
	p0 =	sne.s32 s2, $0x0  }
0x10c: {  	s3 =	rddreg [dreg:$0x2];
	[bflag:$0x3] =	sbarrier.arrive $0xFFFF;
	s2 =	simm.s32 @!p0 $0x1C02  }
0x10d: {  	[timem:s3], [sflag:s2] =	dma.local @!p0 [hbm:s0], s1  }
0x10e: {  	s0 =	simm.s32 @!p0 $0x2  }
0x10f: {  	_ =	swait.ge @!p0 [sflag:s0], s1  }
0x110: {  	s1 =	ssub.s32 @!p0 $0x0, s1;
	[sflag:s0] =	ssyncset.done @!p0 $0x0  }
0x111: {  	[sflag:s0] =	ssyncadd.s32 @!p0 s1  }
0x112: {  	[bflag:$0x3] =	sbarrier.arrive $0xFFFF  }
0x113: {  	_ =	shalt  }

</sc_bundles>
